<compile_context>
chip_gen: v7x
topology: tpu7x:2x2x1
jax: 0.10.2.dev20260603
libtpu: 0.0.44.dev20260713+nightly
codegen_flags: <defaults>
</compile_context>

<pallas_src>
import functools

import jax
import jax.numpy as jnp
from jax import lax
from jax.experimental import pallas as pl
from jax.experimental.pallas import tpu as pltpu
from jax.experimental.pallas import tpu_sc as plsc

N = 10000
E = 320000
D = 128
H = 256
NPAD = 10240
NW = 32
LSTEP = 9984
LANES = 10496
GRP = 512
NG = -(-LANES // GRP)
ZS = NPAD // 16
CH = 1024
NF = N // CH
TAIL = N - NF * CH



def _mask_body(ei_hbm, cv_hbm, out_hbm, ebuf, cbuf, sbuf, zbuf, cv_v, shared):
    c = lax.axis_index("c")
    s = lax.axis_index("s")
    wid = s * 2 + c
    base = wid * LSTEP
    pltpu.sync_copy(ei_hbm.at[:, pl.ds(base, LANES)], ebuf)
    pltpu.sync_copy(cv_hbm, cv_v)
    cvv = cv_v[...]
    zeros = jnp.zeros((16,), jnp.float32)
    ones = jnp.ones((16,), jnp.float32)

    def zero_body(i, carry):
        zbuf[pl.ds(i * 16, 16)] = zeros
        return carry

    lax.fori_loop(0, ZS // 16, zero_body, 0)
    pltpu.sync_copy(zbuf, shared.at[pl.ds(s * ZS, ZS)])
    plsc.subcore_barrier()

    def grp_body(g, carry):
        off = jnp.minimum(g * GRP, LANES - GRP)
        anyhit = ebuf[0, pl.ds(off, 16)] == cvv
        for k in range(1, GRP // 16):
            anyhit = jnp.logical_or(anyhit, ebuf[0, pl.ds(off + k * 16, 16)] == cvv)
        nhit = plsc.all_reduce_population_count(anyhit)

        @pl.when(nhit[0] > 0)
        def _():
            for r in range(GRP // 128):
                for k in range(8):
                    sv = ebuf[0, pl.ds(off + r * 128 + k * 16, 16)]
                    cbuf[r, pl.ds(k * 16, 16)] = jnp.where(sv == cvv, ones, zeros)
                pltpu.sync_copy(ei_hbm.at[:, pl.ds(base + off + r * 128, 128)], sbuf)
                pltpu.sync_copy(cbuf.at[r], shared.at[sbuf.at[1]], add=True)

        return carry

    lax.fori_loop(0, NG, grp_body, 0)
    plsc.subcore_barrier()

    @pl.when(s == 0)
    def _():
        pltpu.sync_copy(shared, out_hbm.at[c])


@functools.cache
def _mask_kernel():
    return pl.kernel(
        _mask_body,
        mesh=plsc.VectorSubcoreMesh(core_axis_name="c", subcore_axis_name="s"),
        compiler_params=pltpu.CompilerParams(needs_layout_passes=False),
        out_type=jax.ShapeDtypeStruct((2, NPAD), jnp.float32),
        scratch_types=[
            pltpu.VMEM((2, LANES), jnp.int32),
            pltpu.VMEM((GRP // 128, 128), jnp.float32),
            pltpu.VMEM((2, 128), jnp.int32),
            pltpu.VMEM((ZS,), jnp.float32),
            pltpu.VMEM((16,), jnp.int32),
            pltpu.VMEM_SHARED((NPAD,), jnp.float32),
        ],
    )



def _scores_body(v_ref, w1_ref, b1_ref, w2t_ref, b2_ref, out_ref):
    def chunk(base, rows):
        vch = v_ref[pl.ds(base, rows), :]
        h = lax.dot_general(
            w1_ref[...], vch, (((0,), (1,)), ((), ())),
            preferred_element_type=jnp.float32,
        )
        h = h + b1_ref[...]
        h = jnp.where(h > 0, h, 0.1 * h)
        s = lax.dot_general(
            w2t_ref[...], h, (((1,), (0,)), ((), ())),
            preferred_element_type=jnp.float32,
        )
        out_ref[0, pl.ds(base, rows)] = s[0, :] + b2_ref[0, 0]

    def chunk_body(ci, carry):
        chunk(ci * CH, CH)
        return carry

    lax.fori_loop(0, NF, chunk_body, 0)
    chunk(NF * CH, TAIL)


def _scores_call(v, w1, b1_col, w2t, b2):
    return pl.pallas_call(
        _scores_body,
        out_shape=jax.ShapeDtypeStruct((1, NPAD), jnp.float32),
    )(v, w1, b1_col, w2t, b2)



def _softmax_body(sc_ref, part_ref, out_ref):
    nbr = jnp.sum(part_ref[...], axis=0, keepdims=True)
    idx = lax.broadcasted_iota(jnp.int32, (1, NPAD), 1)
    sc = sc_ref[...]
    logits = jnp.where(idx < N, jnp.where(nbr > 0, sc, -1e9), -jnp.inf)
    m = jnp.max(logits)
    e = jnp.exp(logits - m)
    p = e / jnp.sum(e)
    out_ref[...] = p[0, :N]


def _softmax_call(scores, partials):
    return pl.pallas_call(
        _softmax_body,
        out_shape=jax.ShapeDtypeStruct((N,), jnp.float32),
    )(scores, partials)


def kernel(vertices, edge_index, current_vertex,
           W1c, b1c, W2c, b2c, W3c, b3c, Wm1, bm1, Wm2, bm2):
    cv_vec = jnp.full((16,), current_vertex, dtype=jnp.int32)
    partials = _mask_kernel()(edge_index, cv_vec)

    v = vertices.astype(jnp.float32)
    b1_col = bm1.reshape(H, 1)
    w2t = Wm2.reshape(1, H)
    b2 = bm2.reshape(1, 1)
    scores = _scores_call(v, Wm1, b1_col, w2t, b2)
    return _softmax_call(scores, partials)

# --- scband reference (transcript-rebuilt; emitter-appended) ---
"""Pipeline reference for scband-deep-ham-actor-43327630082672 (READ-ONLY COPY).

The authoritative reference and input builder live on the scoring server;
editing this copy changes nothing except your own understanding.
"""

import jax, jax.numpy as jnp
import numpy as np

N = 10000
E = 320000
D = 128   # node_embedding_size == d_feat (conv1 lazy in_channels resolves to 128)
H = 256   # hidden_layer_size
ALPHA = 0.1
CURRENT_VERTEX = 1234


def setup_inputs(seed: int = 0) -> dict:
    key = jax.random.key(seed)
    ks = jax.random.split(key, 12)
    inp = {}
    inp["vertices"] = jax.random.normal(ks[0], (N, D), dtype=jnp.float32)
    inp["edge_index"] = jax.random.randint(ks[1], (2, E), 0, N, dtype=jnp.int32)
    inp["current_vertex"] = CURRENT_VERTEX
    s = 1.0 / np.sqrt(D)
    inp["W1c"] = jax.random.normal(ks[2], (D, D), dtype=jnp.float32) * s
    inp["b1c"] = jnp.zeros((D,), dtype=jnp.float32)
    inp["W2c"] = jax.random.normal(ks[3], (D, D), dtype=jnp.float32) * s
    inp["b2c"] = jnp.zeros((D,), dtype=jnp.float32)
    inp["W3c"] = jax.random.normal(ks[4], (D, D), dtype=jnp.float32) * s
    inp["b3c"] = jnp.zeros((D,), dtype=jnp.float32)
    inp["Wm1"] = jax.random.normal(ks[5], (D, H), dtype=jnp.float32) * s
    inp["bm1"] = jnp.zeros((H,), dtype=jnp.float32)
    inp["Wm2"] = jax.random.normal(ks[6], (H, 1), dtype=jnp.float32) * (1.0 / np.sqrt(H))
    inp["bm2"] = jnp.zeros((1,), dtype=jnp.float32)
    return inp


def _gcn_conv(x, edge_index, W, b):
    # PyG GCNConv: add self-loops, symmetric normalization, x @ W then propagate, + bias
    n = x.shape[0]
    loop = jnp.arange(n, dtype=edge_index.dtype)
    row = jnp.concatenate([edge_index[0], loop])
    col = jnp.concatenate([edge_index[1], loop])
    ones = jnp.ones_like(row, dtype=x.dtype)
    deg = jnp.zeros((n,), dtype=x.dtype).at[col].add(ones)
    dinv = jnp.where(deg > 0, deg ** -0.5, 0.0)
    norm = dinv[row] * dinv[col]
    h = x @ W
    msg = norm[:, None] * jnp.take(h, row, axis=0)
    out = jnp.zeros((n, W.shape[1]), dtype=x.dtype).at[col].add(msg)
    return out + b


def _predictor(x, edge_index, current_vertex, Wm1, bm1, Wm2, bm2, alpha=ALPHA):
    # MLP scores every node, masked softmax restricted to neighbors of current_vertex
    h = x @ Wm1 + bm1
    h = jnp.where(h > 0, h, alpha * h)  # leaky relu
    scores = (h @ Wm2 + bm2)[:, 0]
    src, dst = edge_index[0], edge_index[1]
    contrib = (src == current_vertex).astype(x.dtype)
    nbr = jnp.zeros((x.shape[0],), dtype=x.dtype).at[dst].add(contrib)
    mask = nbr > 0
    logits = jnp.where(mask, scores, -1e9)
    probs = jax.nn.softmax(logits)
    return probs


def reference(vertices, edge_index, current_vertex, W1c, b1c, W2c, b2c, W3c, b3c, Wm1, bm1, Wm2, bm2):
    v = vertices.astype(jnp.float32)
    emb = jnp.tanh(_gcn_conv(v, edge_index, W1c, b1c))
    emb = jnp.tanh(_gcn_conv(emb, edge_index, W2c, b2c))
    emb = _gcn_conv(emb, edge_index, W3c, b3c)
    # faithful to the original (buggy) forward: embeddings are overwritten by
    # vertices.tanh() and the predictor is called on the raw vertices
    emb = jnp.tanh(v)
    probs = _predictor(vertices, edge_index, current_vertex, Wm1, bm1, Wm2, bm2)
    return probs

if __name__ == "__main__":
    import jax
    _d = setup_inputs()
    print(jax.jit(kernel)(*tuple(_d.values())))

</pallas_src>

<mosaic_0001>
#map = affine_map<(d0, d1) -> (0, 0)>
#map1 = affine_map<(d0, d1) -> (0)>
module attributes {stable_mosaic.version = 14 : i64} {
  func.func @_mask_body(%arg0: i32, %arg1: i32, %arg2: memref<2x320000xi32, #tpu.memory_space<hbm>>, %arg3: memref<16xi32, #tpu.memory_space<hbm>>, %arg4: memref<2x10240xf32, #tpu.memory_space<hbm>>, %arg5: memref<2x10496xi32, #tpu.memory_space<vmem>>, %arg6: memref<4x128xf32, #tpu.memory_space<vmem>>, %arg7: memref<2x128xi32, #tpu.memory_space<vmem>>, %arg8: memref<640xf32, #tpu.memory_space<vmem>>, %arg9: memref<16xi32, #tpu.memory_space<vmem>>, %arg10: memref<10240xf32, #tpu.memory_space<vmem_shared>>) attributes {dimension_semantics = [#tpu.dimension_semantics<core_parallel>, #tpu.dimension_semantics<subcore_parallel>], iteration_bounds = array<i64: 2, 16>, scalar_prefetch = 0 : i64, scratch_operands = 6 : i64, tpu.core_type = #tpu.core_type<sc_vector_subcore>, window_params = [{transform_indices = #map}, {transform_indices = #map1}, {transform_indices = #map}]} {
    %mul3A = arith.constant 2 : i32
    %mul3A_0 = arith.muli %arg1, %mul3A : i32
    %add3A = arith.addi %mul3A_0, %arg0 : i32
    %mul3A_1 = arith.constant 9984 : i32
    %mul3A_2 = arith.muli %add3A, %mul3A_1 : i32
    "tpu.region"() ({
      %run_scoped3A = tpu.sem_alloc : memref<!tpu.dma_semaphore, #tpu.memory_space<semaphore_mem>>
      %dma_start3A = arith.constant 0 : i32
      %dma_start3A_23 = tpu.memref_slice %arg2[%dma_start3A, %mul3A_2] : memref<2x320000xi32, #tpu.memory_space<hbm>> -> memref<2x10496xi32, #tpu.memory_space<hbm>>
      %dma_start3A_24 = arith.constant 0 : i32
      %dma_start3A_25 = tpu.memref_slice %arg2[%dma_start3A_24, %mul3A_2] : memref<2x320000xi32, #tpu.memory_space<hbm>> -> memref<2x10496xi32, #tpu.memory_space<hbm>>
      tpu.enqueue_dma source(%dma_start3A_25 : memref<2x10496xi32, #tpu.memory_space<hbm>>) target(%arg5 : memref<2x10496xi32, #tpu.memory_space<vmem>>) target_semaphore(%run_scoped3A : memref<!tpu.dma_semaphore, #tpu.memory_space<semaphore_mem>>)
      %dma_wait3A = arith.constant 0 : i32
      %dma_wait3A_26 = tpu.memref_slice %arg2[%dma_wait3A, %mul3A_2] : memref<2x320000xi32, #tpu.memory_space<hbm>> -> memref<2x10496xi32, #tpu.memory_space<hbm>>
      %dma_wait3A_27 = arith.constant 0 : i32
      %dma_wait3A_28 = tpu.memref_slice %arg2[%dma_wait3A_27, %mul3A_2] : memref<2x320000xi32, #tpu.memory_space<hbm>> -> memref<2x10496xi32, #tpu.memory_space<hbm>>
      tpu.wait_dma2 semaphore(%run_scoped3A : memref<!tpu.dma_semaphore, #tpu.memory_space<semaphore_mem>>) src(%dma_wait3A_28 : memref<2x10496xi32, #tpu.memory_space<hbm>>) dst(%arg5 : memref<2x10496xi32, #tpu.memory_space<vmem>>)
      tpu.yield
    }) : () -> ()
    "tpu.region"() ({
      %run_scoped3A = tpu.sem_alloc : memref<!tpu.dma_semaphore, #tpu.memory_space<semaphore_mem>>
      tpu.enqueue_dma source(%arg3 : memref<16xi32, #tpu.memory_space<hbm>>) target(%arg9 : memref<16xi32, #tpu.memory_space<vmem>>) target_semaphore(%run_scoped3A : memref<!tpu.dma_semaphore, #tpu.memory_space<semaphore_mem>>)
      tpu.wait_dma2 semaphore(%run_scoped3A : memref<!tpu.dma_semaphore, #tpu.memory_space<semaphore_mem>>) src(%arg3 : memref<16xi32, #tpu.memory_space<hbm>>) dst(%arg9 : memref<16xi32, #tpu.memory_space<vmem>>)
      tpu.yield
    }) : () -> ()
    %get3A = arith.constant 0 : index
    %get3A_3 = tpu.vector_load %arg9[%get3A] {strides = array<i32>} : memref<16xi32, #tpu.memory_space<vmem>>, vector<16xi32>,
    %broadcast_in_dim3A = arith.constant 0.000000e+00 : f32
    %broadcast_in_dim3A_4 = vector.broadcast %broadcast_in_dim3A : f32 to vector<16xf32>
    %broadcast_in_dim3A_5 = arith.constant 1.000000e+00 : f32
    %broadcast_in_dim3A_6 = vector.broadcast %broadcast_in_dim3A_5 : f32 to vector<16xf32>
    %scan3A = arith.constant 0 : i32
    %scan3A_7 = arith.constant 0 : i32
    %scan3A_8 = arith.constant 40 : i32
    %scan3A_9 = arith.addi %scan3A_7, %scan3A_8 : i32
    %scan3A_10 = arith.constant 1 : i32
    scf.for %scan3A_23 = %scan3A_7 to %scan3A_9 step %scan3A_10  : i32 {
      %mul3A_24 = arith.constant 16 : i32
      %mul3A_25 = arith.muli %scan3A_23, %mul3A_24 : i32
      %swap3A = arith.index_cast %mul3A_25 : i32 to index
      %swap3A_26 = tpu.vector_load %arg8[%swap3A] {strides = array<i32>} : memref<640xf32, #tpu.memory_space<vmem>>, vector<16xf32>,
      tpu.vector_store %arg8[%swap3A], %broadcast_in_dim3A_4 {strides = array<i32>} : memref<640xf32, #tpu.memory_space<vmem>>, vector<16xf32>,
    }
    %scan3A_11 = arith.constant 40 : i32
    %mul3A_12 = arith.constant 640 : i32
    %mul3A_13 = arith.muli %arg1, %mul3A_12 : i32
    "tpu.region"() ({
      %run_scoped3A = tpu.sem_alloc : memref<!tpu.dma_semaphore, #tpu.memory_space<semaphore_mem>>
      %dma_start3A = tpu.memref_slice %arg10[%mul3A_13] : memref<10240xf32, #tpu.memory_space<vmem_shared>> -> memref<640xf32, #tpu.memory_space<vmem_shared>>
      %dma_start3A_23 = tpu.memref_slice %arg10[%mul3A_13] : memref<10240xf32, #tpu.memory_space<vmem_shared>> -> memref<640xf32, #tpu.memory_space<vmem_shared>>
      tpu.enqueue_dma source(%arg8 : memref<640xf32, #tpu.memory_space<vmem>>) target(%dma_start3A_23 : memref<640xf32, #tpu.memory_space<vmem_shared>>) target_semaphore(%run_scoped3A : memref<!tpu.dma_semaphore, #tpu.memory_space<semaphore_mem>>)
      %dma_wait3A = tpu.memref_slice %arg10[%mul3A_13] : memref<10240xf32, #tpu.memory_space<vmem_shared>> -> memref<640xf32, #tpu.memory_space<vmem_shared>>
      %dma_wait3A_24 = tpu.memref_slice %arg10[%mul3A_13] : memref<10240xf32, #tpu.memory_space<vmem_shared>> -> memref<640xf32, #tpu.memory_space<vmem_shared>>
      tpu.wait_dma2 semaphore(%run_scoped3A : memref<!tpu.dma_semaphore, #tpu.memory_space<semaphore_mem>>) src(%arg8 : memref<640xf32, #tpu.memory_space<vmem>>) dst(%dma_wait3A_24 : memref<640xf32, #tpu.memory_space<vmem_shared>>)
      tpu.yield
    }) : () -> ()
    %barrier3A = arith.constant 0 : index
    tpu.barrier barrier_id(%barrier3A)
    %scan3A_14 = arith.constant 0 : i32
    %scan3A_15 = arith.constant 0 : i32
    %scan3A_16 = arith.constant 21 : i32
    %scan3A_17 = arith.addi %scan3A_15, %scan3A_16 : i32
    %scan3A_18 = arith.constant 1 : i32
    scf.for %scan3A_23 = %scan3A_15 to %scan3A_17 step %scan3A_18  : i32 {
      %mul3A_24 = arith.constant 512 : i32
      %mul3A_25 = arith.muli %scan3A_23, %mul3A_24 : i32
      %min3A = arith.constant 9984 : i32
      %min3A_26 = arith.minsi %mul3A_25, %min3A : i32
      %get3A_27 = arith.constant 0 : i32
      %get3A_28 = arith.index_cast %get3A_27 : i32 to index
      %get3A_29 = arith.index_cast %min3A_26 : i32 to index
      %get3A_30 = tpu.vector_load %arg5[%get3A_28, %get3A_29] {strides = array<i32>} : memref<2x10496xi32, #tpu.memory_space<vmem>>, vector<16xi32>,
      %eq3A_31 = arith.cmpi eq, %get3A_30, %get3A_3 : vector<16xi32>
      %add3A_32 = arith.constant 16 : i32
      %add3A_33 = arith.addi %min3A_26, %add3A_32 : i32
      %get3A_34 = arith.constant 0 : i32
      %get3A_35 = arith.index_cast %get3A_34 : i32 to index
      %get3A_36 = arith.index_cast %add3A_33 : i32 to index
      %get3A_37 = tpu.vector_load %arg5[%get3A_35, %get3A_36] {strides = array<i32>} : memref<2x10496xi32, #tpu.memory_space<vmem>>, vector<16xi32>,
      %eq3A_38 = arith.cmpi eq, %get3A_37, %get3A_3 : vector<16xi32>
      %or3A = arith.ori %eq3A_31, %eq3A_38 : vector<16xi1>
      %add3A_39 = arith.constant 32 : i32
      %add3A_40 = arith.addi %min3A_26, %add3A_39 : i32
      %get3A_41 = arith.constant 0 : i32
      %get3A_42 = arith.index_cast %get3A_41 : i32 to index
      %get3A_43 = arith.index_cast %add3A_40 : i32 to index
      %get3A_44 = tpu.vector_load %arg5[%get3A_42, %get3A_43] {strides = array<i32>} : memref<2x10496xi32, #tpu.memory_space<vmem>>, vector<16xi32>,
      %eq3A_45 = arith.cmpi eq, %get3A_44, %get3A_3 : vector<16xi32>
      %or3A_46 = arith.ori %or3A, %eq3A_45 : vector<16xi1>
      %add3A_47 = arith.constant 48 : i32
      %add3A_48 = arith.addi %min3A_26, %add3A_47 : i32
      %get3A_49 = arith.constant 0 : i32
      %get3A_50 = arith.index_cast %get3A_49 : i32 to index
      %get3A_51 = arith.index_cast %add3A_48 : i32 to index
      %get3A_52 = tpu.vector_load %arg5[%get3A_50, %get3A_51] {strides = array<i32>} : memref<2x10496xi32, #tpu.memory_space<vmem>>, vector<16xi32>,
      %eq3A_53 = arith.cmpi eq, %get3A_52, %get3A_3 : vector<16xi32>
      %or3A_54 = arith.ori %or3A_46, %eq3A_53 : vector<16xi1>
      %add3A_55 = arith.constant 64 : i32
      %add3A_56 = arith.addi %min3A_26, %add3A_55 : i32
      %get3A_57 = arith.constant 0 : i32
      %get3A_58 = arith.index_cast %get3A_57 : i32 to index
      %get3A_59 = arith.index_cast %add3A_56 : i32 to index
      %get3A_60 = tpu.vector_load %arg5[%get3A_58, %get3A_59] {strides = array<i32>} : memref<2x10496xi32, #tpu.memory_space<vmem>>, vector<16xi32>,
      %eq3A_61 = arith.cmpi eq, %get3A_60, %get3A_3 : vector<16xi32>
      %or3A_62 = arith.ori %or3A_54, %eq3A_61 : vector<16xi1>
      %add3A_63 = arith.constant 80 : i32
      %add3A_64 = arith.addi %min3A_26, %add3A_63 : i32
      %get3A_65 = arith.constant 0 : i32
      %get3A_66 = arith.index_cast %get3A_65 : i32 to index
      %get3A_67 = arith.index_cast %add3A_64 : i32 to index
      %get3A_68 = tpu.vector_load %arg5[%get3A_66, %get3A_67] {strides = array<i32>} : memref<2x10496xi32, #tpu.memory_space<vmem>>, vector<16xi32>,
      %eq3A_69 = arith.cmpi eq, %get3A_68, %get3A_3 : vector<16xi32>
      %or3A_70 = arith.ori %or3A_62, %eq3A_69 : vector<16xi1>
      %add3A_71 = arith.constant 96 : i32
      %add3A_72 = arith.addi %min3A_26, %add3A_71 : i32
      %get3A_73 = arith.constant 0 : i32
      %get3A_74 = arith.index_cast %get3A_73 : i32 to index
      %get3A_75 = arith.index_cast %add3A_72 : i32 to index
      %get3A_76 = tpu.vector_load %arg5[%get3A_74, %get3A_75] {strides = array<i32>} : memref<2x10496xi32, #tpu.memory_space<vmem>>, vector<16xi32>,
      %eq3A_77 = arith.cmpi eq, %get3A_76, %get3A_3 : vector<16xi32>
      %or3A_78 = arith.ori %or3A_70, %eq3A_77 : vector<16xi1>
      %add3A_79 = arith.constant 112 : i32
      %add3A_80 = arith.addi %min3A_26, %add3A_79 : i32
      %get3A_81 = arith.constant 0 : i32
      %get3A_82 = arith.index_cast %get3A_81 : i32 to index
      %get3A_83 = arith.index_cast %add3A_80 : i32 to index
      %get3A_84 = tpu.vector_load %arg5[%get3A_82, %get3A_83] {strides = array<i32>} : memref<2x10496xi32, #tpu.memory_space<vmem>>, vector<16xi32>,
      %eq3A_85 = arith.cmpi eq, %get3A_84, %get3A_3 : vector<16xi32>
      %or3A_86 = arith.ori %or3A_78, %eq3A_85 : vector<16xi1>
      %add3A_87 = arith.constant 128 : i32
      %add3A_88 = arith.addi %min3A_26, %add3A_87 : i32
      %get3A_89 = arith.constant 0 : i32
      %get3A_90 = arith.index_cast %get3A_89 : i32 to index
      %get3A_91 = arith.index_cast %add3A_88 : i32 to index
      %get3A_92 = tpu.vector_load %arg5[%get3A_90, %get3A_91] {strides = array<i32>} : memref<2x10496xi32, #tpu.memory_space<vmem>>, vector<16xi32>,
      %eq3A_93 = arith.cmpi eq, %get3A_92, %get3A_3 : vector<16xi32>
      %or3A_94 = arith.ori %or3A_86, %eq3A_93 : vector<16xi1>
      %add3A_95 = arith.constant 144 : i32
      %add3A_96 = arith.addi %min3A_26, %add3A_95 : i32
      %get3A_97 = arith.constant 0 : i32
      %get3A_98 = arith.index_cast %get3A_97 : i32 to index
      %get3A_99 = arith.index_cast %add3A_96 : i32 to index
      %get3A_100 = tpu.vector_load %arg5[%get3A_98, %get3A_99] {strides = array<i32>} : memref<2x10496xi32, #tpu.memory_space<vmem>>, vector<16xi32>,
      %eq3A_101 = arith.cmpi eq, %get3A_100, %get3A_3 : vector<16xi32>
      %or3A_102 = arith.ori %or3A_94, %eq3A_101 : vector<16xi1>
      %add3A_103 = arith.constant 160 : i32
      %add3A_104 = arith.addi %min3A_26, %add3A_103 : i32
      %get3A_105 = arith.constant 0 : i32
      %get3A_106 = arith.index_cast %get3A_105 : i32 to index
      %get3A_107 = arith.index_cast %add3A_104 : i32 to index
      %get3A_108 = tpu.vector_load %arg5[%get3A_106, %get3A_107] {strides = array<i32>} : memref<2x10496xi32, #tpu.memory_space<vmem>>, vector<16xi32>,
      %eq3A_109 = arith.cmpi eq, %get3A_108, %get3A_3 : vector<16xi32>
      %or3A_110 = arith.ori %or3A_102, %eq3A_109 : vector<16xi1>
      %add3A_111 = arith.constant 176 : i32
      %add3A_112 = arith.addi %min3A_26, %add3A_111 : i32
      %get3A_113 = arith.constant 0 : i32
      %get3A_114 = arith.index_cast %get3A_113 : i32 to index
      %get3A_115 = arith.index_cast %add3A_112 : i32 to index
      %get3A_116 = tpu.vector_load %arg5[%get3A_114, %get3A_115] {strides = array<i32>} : memref<2x10496xi32, #tpu.memory_space<vmem>>, vector<16xi32>,
      %eq3A_117 = arith.cmpi eq, %get3A_116, %get3A_3 : vector<16xi32>
      %or3A_118 = arith.ori %or3A_110, %eq3A_117 : vector<16xi1>
      %add3A_119 = arith.constant 192 : i32
      %add3A_120 = arith.addi %min3A_26, %add3A_119 : i32
      %get3A_121 = arith.constant 0 : i32
      %get3A_122 = arith.index_cast %get3A_121 : i32 to index
      %get3A_123 = arith.index_cast %add3A_120 : i32 to index
      %get3A_124 = tpu.vector_load %arg5[%get3A_122, %get3A_123] {strides = array<i32>} : memref<2x10496xi32, #tpu.memory_space<vmem>>, vector<16xi32>,
      %eq3A_125 = arith.cmpi eq, %get3A_124, %get3A_3 : vector<16xi32>
      %or3A_126 = arith.ori %or3A_118, %eq3A_125 : vector<16xi1>
      %add3A_127 = arith.constant 208 : i32
      %add3A_128 = arith.addi %min3A_26, %add3A_127 : i32
      %get3A_129 = arith.constant 0 : i32
      %get3A_130 = arith.index_cast %get3A_129 : i32 to index
      %get3A_131 = arith.index_cast %add3A_128 : i32 to index
      %get3A_132 = tpu.vector_load %arg5[%get3A_130, %get3A_131] {strides = array<i32>} : memref<2x10496xi32, #tpu.memory_space<vmem>>, vector<16xi32>,
      %eq3A_133 = arith.cmpi eq, %get3A_132, %get3A_3 : vector<16xi32>
      %or3A_134 = arith.ori %or3A_126, %eq3A_133 : vector<16xi1>
      %add3A_135 = arith.constant 224 : i32
      %add3A_136 = arith.addi %min3A_26, %add3A_135 : i32
      %get3A_137 = arith.constant 0 : i32
      %get3A_138 = arith.index_cast %get3A_137 : i32 to index
      %get3A_139 = arith.index_cast %add3A_136 : i32 to index
      %get3A_140 = tpu.vector_load %arg5[%get3A_138, %get3A_139] {strides = array<i32>} : memref<2x10496xi32, #tpu.memory_space<vmem>>, vector<16xi32>,
      %eq3A_141 = arith.cmpi eq, %get3A_140, %get3A_3 : vector<16xi32>
      %or3A_142 = arith.ori %or3A_134, %eq3A_141 : vector<16xi1>
      %add3A_143 = arith.constant 240 : i32
      %add3A_144 = arith.addi %min3A_26, %add3A_143 : i32
      %get3A_145 = arith.constant 0 : i32
      %get3A_146 = arith.index_cast %get3A_145 : i32 to index
      %get3A_147 = arith.index_cast %add3A_144 : i32 to index
      %get3A_148 = tpu.vector_load %arg5[%get3A_146, %get3A_147] {strides = array<i32>} : memref<2x10496xi32, #tpu.memory_space<vmem>>, vector<16xi32>,
      %eq3A_149 = arith.cmpi eq, %get3A_148, %get3A_3 : vector<16xi32>
      %or3A_150 = arith.ori %or3A_142, %eq3A_149 : vector<16xi1>
      %add3A_151 = arith.constant 256 : i32
      %add3A_152 = arith.addi %min3A_26, %add3A_151 : i32
      %get3A_153 = arith.constant 0 : i32
      %get3A_154 = arith.index_cast %get3A_153 : i32 to index
      %get3A_155 = arith.index_cast %add3A_152 : i32 to index
      %get3A_156 = tpu.vector_load %arg5[%get3A_154, %get3A_155] {strides = array<i32>} : memref<2x10496xi32, #tpu.memory_space<vmem>>, vector<16xi32>,
      %eq3A_157 = arith.cmpi eq, %get3A_156, %get3A_3 : vector<16xi32>
      %or3A_158 = arith.ori %or3A_150, %eq3A_157 : vector<16xi1>
      %add3A_159 = arith.constant 272 : i32
      %add3A_160 = arith.addi %min3A_26, %add3A_159 : i32
      %get3A_161 = arith.constant 0 : i32
      %get3A_162 = arith.index_cast %get3A_161 : i32 to index
      %get3A_163 = arith.index_cast %add3A_160 : i32 to index
      %get3A_164 = tpu.vector_load %arg5[%get3A_162, %get3A_163] {strides = array<i32>} : memref<2x10496xi32, #tpu.memory_space<vmem>>, vector<16xi32>,
      %eq3A_165 = arith.cmpi eq, %get3A_164, %get3A_3 : vector<16xi32>
      %or3A_166 = arith.ori %or3A_158, %eq3A_165 : vector<16xi1>
      %add3A_167 = arith.constant 288 : i32
      %add3A_168 = arith.addi %min3A_26, %add3A_167 : i32
      %get3A_169 = arith.constant 0 : i32
      %get3A_170 = arith.index_cast %get3A_169 : i32 to index
      %get3A_171 = arith.index_cast %add3A_168 : i32 to index
      %get3A_172 = tpu.vector_load %arg5[%get3A_170, %get3A_171] {strides = array<i32>} : memref<2x10496xi32, #tpu.memory_space<vmem>>, vector<16xi32>,
      %eq3A_173 = arith.cmpi eq, %get3A_172, %get3A_3 : vector<16xi32>
      %or3A_174 = arith.ori %or3A_166, %eq3A_173 : vector<16xi1>
      %add3A_175 = arith.constant 304 : i32
      %add3A_176 = arith.addi %min3A_26, %add3A_175 : i32
      %get3A_177 = arith.constant 0 : i32
      %get3A_178 = arith.index_cast %get3A_177 : i32 to index
      %get3A_179 = arith.index_cast %add3A_176 : i32 to index
      %get3A_180 = tpu.vector_load %arg5[%get3A_178, %get3A_179] {strides = array<i32>} : memref<2x10496xi32, #tpu.memory_space<vmem>>, vector<16xi32>,
      %eq3A_181 = arith.cmpi eq, %get3A_180, %get3A_3 : vector<16xi32>
      %or3A_182 = arith.ori %or3A_174, %eq3A_181 : vector<16xi1>
      %add3A_183 = arith.constant 320 : i32
      %add3A_184 = arith.addi %min3A_26, %add3A_183 : i32
      %get3A_185 = arith.constant 0 : i32
      %get3A_186 = arith.index_cast %get3A_185 : i32 to index
      %get3A_187 = arith.index_cast %add3A_184 : i32 to index
      %get3A_188 = tpu.vector_load %arg5[%get3A_186, %get3A_187] {strides = array<i32>} : memref<2x10496xi32, #tpu.memory_space<vmem>>, vector<16xi32>,
      %eq3A_189 = arith.cmpi eq, %get3A_188, %get3A_3 : vector<16xi32>
      %or3A_190 = arith.ori %or3A_182, %eq3A_189 : vector<16xi1>
      %add3A_191 = arith.constant 336 : i32
      %add3A_192 = arith.addi %min3A_26, %add3A_191 : i32
      %get3A_193 = arith.constant 0 : i32
      %get3A_194 = arith.index_cast %get3A_193 : i32 to index
      %get3A_195 = arith.index_cast %add3A_192 : i32 to index
      %get3A_196 = tpu.vector_load %arg5[%get3A_194, %get3A_195] {strides = array<i32>} : memref<2x10496xi32, #tpu.memory_space<vmem>>, vector<16xi32>,
      %eq3A_197 = arith.cmpi eq, %get3A_196, %get3A_3 : vector<16xi32>
      %or3A_198 = arith.ori %or3A_190, %eq3A_197 : vector<16xi1>
      %add3A_199 = arith.constant 352 : i32
      %add3A_200 = arith.addi %min3A_26, %add3A_199 : i32
      %get3A_201 = arith.constant 0 : i32
      %get3A_202 = arith.index_cast %get3A_201 : i32 to index
      %get3A_203 = arith.index_cast %add3A_200 : i32 to index
      %get3A_204 = tpu.vector_load %arg5[%get3A_202, %get3A_203] {strides = array<i32>} : memref<2x10496xi32, #tpu.memory_space<vmem>>, vector<16xi32>,
      %eq3A_205 = arith.cmpi eq, %get3A_204, %get3A_3 : vector<16xi32>
      %or3A_206 = arith.ori %or3A_198, %eq3A_205 : vector<16xi1>
      %add3A_207 = arith.constant 368 : i32
      %add3A_208 = arith.addi %min3A_26, %add3A_207 : i32
      %get3A_209 = arith.constant 0 : i32
      %get3A_210 = arith.index_cast %get3A_209 : i32 to index
      %get3A_211 = arith.index_cast %add3A_208 : i32 to index
      %get3A_212 = tpu.vector_load %arg5[%get3A_210, %get3A_211] {strides = array<i32>} : memref<2x10496xi32, #tpu.memory_space<vmem>>, vector<16xi32>,
      %eq3A_213 = arith.cmpi eq, %get3A_212, %get3A_3 : vector<16xi32>
      %or3A_214 = arith.ori %or3A_206, %eq3A_213 : vector<16xi1>
      %add3A_215 = arith.constant 384 : i32
      %add3A_216 = arith.addi %min3A_26, %add3A_215 : i32
      %get3A_217 = arith.constant 0 : i32
      %get3A_218 = arith.index_cast %get3A_217 : i32 to index
      %get3A_219 = arith.index_cast %add3A_216 : i32 to index
      %get3A_220 = tpu.vector_load %arg5[%get3A_218, %get3A_219] {strides = array<i32>} : memref<2x10496xi32, #tpu.memory_space<vmem>>, vector<16xi32>,
      %eq3A_221 = arith.cmpi eq, %get3A_220, %get3A_3 : vector<16xi32>
      %or3A_222 = arith.ori %or3A_214, %eq3A_221 : vector<16xi1>
      %add3A_223 = arith.constant 400 : i32
      %add3A_224 = arith.addi %min3A_26, %add3A_223 : i32
      %get3A_225 = arith.constant 0 : i32
      %get3A_226 = arith.index_cast %get3A_225 : i32 to index
      %get3A_227 = arith.index_cast %add3A_224 : i32 to index
      %get3A_228 = tpu.vector_load %arg5[%get3A_226, %get3A_227] {strides = array<i32>} : memref<2x10496xi32, #tpu.memory_space<vmem>>, vector<16xi32>,
      %eq3A_229 = arith.cmpi eq, %get3A_228, %get3A_3 : vector<16xi32>
      %or3A_230 = arith.ori %or3A_222, %eq3A_229 : vector<16xi1>
      %add3A_231 = arith.constant 416 : i32
      %add3A_232 = arith.addi %min3A_26, %add3A_231 : i32
      %get3A_233 = arith.constant 0 : i32
      %get3A_234 = arith.index_cast %get3A_233 : i32 to index
      %get3A_235 = arith.index_cast %add3A_232 : i32 to index
      %get3A_236 = tpu.vector_load %arg5[%get3A_234, %get3A_235] {strides = array<i32>} : memref<2x10496xi32, #tpu.memory_space<vmem>>, vector<16xi32>,
      %eq3A_237 = arith.cmpi eq, %get3A_236, %get3A_3 : vector<16xi32>
      %or3A_238 = arith.ori %or3A_230, %eq3A_237 : vector<16xi1>
      %add3A_239 = arith.constant 432 : i32
      %add3A_240 = arith.addi %min3A_26, %add3A_239 : i32
      %get3A_241 = arith.constant 0 : i32
      %get3A_242 = arith.index_cast %get3A_241 : i32 to index
      %get3A_243 = arith.index_cast %add3A_240 : i32 to index
      %get3A_244 = tpu.vector_load %arg5[%get3A_242, %get3A_243] {strides = array<i32>} : memref<2x10496xi32, #tpu.memory_space<vmem>>, vector<16xi32>,
      %eq3A_245 = arith.cmpi eq, %get3A_244, %get3A_3 : vector<16xi32>
      %or3A_246 = arith.ori %or3A_238, %eq3A_245 : vector<16xi1>
      %add3A_247 = arith.constant 448 : i32
      %add3A_248 = arith.addi %min3A_26, %add3A_247 : i32
      %get3A_249 = arith.constant 0 : i32
      %get3A_250 = arith.index_cast %get3A_249 : i32 to index
      %get3A_251 = arith.index_cast %add3A_248 : i32 to index
      %get3A_252 = tpu.vector_load %arg5[%get3A_250, %get3A_251] {strides = array<i32>} : memref<2x10496xi32, #tpu.memory_space<vmem>>, vector<16xi32>,
      %eq3A_253 = arith.cmpi eq, %get3A_252, %get3A_3 : vector<16xi32>
      %or3A_254 = arith.ori %or3A_246, %eq3A_253 : vector<16xi1>
      %add3A_255 = arith.constant 464 : i32
      %add3A_256 = arith.addi %min3A_26, %add3A_255 : i32
      %get3A_257 = arith.constant 0 : i32
      %get3A_258 = arith.index_cast %get3A_257 : i32 to index
      %get3A_259 = arith.index_cast %add3A_256 : i32 to index
      %get3A_260 = tpu.vector_load %arg5[%get3A_258, %get3A_259] {strides = array<i32>} : memref<2x10496xi32, #tpu.memory_space<vmem>>, vector<16xi32>,
      %eq3A_261 = arith.cmpi eq, %get3A_260, %get3A_3 : vector<16xi32>
      %or3A_262 = arith.ori %or3A_254, %eq3A_261 : vector<16xi1>
      %add3A_263 = arith.constant 480 : i32
      %add3A_264 = arith.addi %min3A_26, %add3A_263 : i32
      %get3A_265 = arith.constant 0 : i32
      %get3A_266 = arith.index_cast %get3A_265 : i32 to index
      %get3A_267 = arith.index_cast %add3A_264 : i32 to index
      %get3A_268 = tpu.vector_load %arg5[%get3A_266, %get3A_267] {strides = array<i32>} : memref<2x10496xi32, #tpu.memory_space<vmem>>, vector<16xi32>,
      %eq3A_269 = arith.cmpi eq, %get3A_268, %get3A_3 : vector<16xi32>
      %or3A_270 = arith.ori %or3A_262, %eq3A_269 : vector<16xi1>
      %add3A_271 = arith.constant 496 : i32
      %add3A_272 = arith.addi %min3A_26, %add3A_271 : i32
      %get3A_273 = arith.constant 0 : i32
      %get3A_274 = arith.index_cast %get3A_273 : i32 to index
      %get3A_275 = arith.index_cast %add3A_272 : i32 to index
      %get3A_276 = tpu.vector_load %arg5[%get3A_274, %get3A_275] {strides = array<i32>} : memref<2x10496xi32, #tpu.memory_space<vmem>>, vector<16xi32>,
      %eq3A_277 = arith.cmpi eq, %get3A_276, %get3A_3 : vector<16xi32>
      %or3A_278 = arith.ori %or3A_270, %eq3A_277 : vector<16xi1>
      %all_reduce_population_count3A = tpu.all_reduce %or3A_278 {dim = 0 : i64, kind = #tpu.reduction_kind<sum>} : vector<16xi1> -> vector<16xi32>
      %slice3A = vector.extract_strided_slice %all_reduce_population_count3A {offsets = [0], sizes = [1], strides = [1]} : vector<16xi32> to vector<1xi32>
      %squeeze3A = vector.extract %slice3A[0] : i32 from vector<1xi32>
      %gt3A = arith.constant 0 : i32
      %gt3A_279 = arith.cmpi sgt, %squeeze3A, %gt3A : i32
      %convert_element_type3A_280 = arith.extui %gt3A_279 : i1 to i32
      %cond3A_281 = arith.constant 0 : i32
      %cond3A_282 = arith.cmpi ne, %convert_element_type3A_280, %cond3A_281 : i32
      scf.if %cond3A_282 {
        %add3A_283 = arith.constant 0 : i32
        %add3A_284 = arith.addi %min3A_26, %add3A_283 : i32
        %add3A_285 = arith.constant 0 : i32
        %add3A_286 = arith.addi %add3A_284, %add3A_285 : i32
        %get3A_287 = arith.constant 0 : i32
        %get3A_288 = arith.index_cast %get3A_287 : i32 to index
        %get3A_289 = arith.index_cast %add3A_286 : i32 to index
        %get3A_290 = tpu.vector_load %arg5[%get3A_288, %get3A_289] {strides = array<i32>} : memref<2x10496xi32, #tpu.memory_space<vmem>>, vector<16xi32>,
        %eq3A_291 = arith.cmpi eq, %get3A_290, %get3A_3 : vector<16xi32>
        %select_n3A = arith.select %eq3A_291, %broadcast_in_dim3A_6, %broadcast_in_dim3A_4 : vector<16xi1>, vector<16xf32>
        %swap3A = arith.constant 0 : i32
        %swap3A_292 = arith.index_cast %swap3A : i32 to index
        %swap3A_293 = arith.constant 0 : index
        %swap3A_294 = tpu.vector_load %arg6[%swap3A_292, %swap3A_293] {strides = array<i32>} : memref<4x128xf32, #tpu.memory_space<vmem>>, vector<16xf32>,
        tpu.vector_store %arg6[%swap3A_292, %swap3A_293], %select_n3A {strides = array<i32>} : memref<4x128xf32, #tpu.memory_space<vmem>>, vector<16xf32>,
        %add3A_295 = arith.constant 0 : i32
        %add3A_296 = arith.addi %min3A_26, %add3A_295 : i32
        %add3A_297 = arith.constant 16 : i32
        %add3A_298 = arith.addi %add3A_296, %add3A_297 : i32
        %get3A_299 = arith.constant 0 : i32
        %get3A_300 = arith.index_cast %get3A_299 : i32 to index
        %get3A_301 = arith.index_cast %add3A_298 : i32 to index
        %get3A_302 = tpu.vector_load %arg5[%get3A_300, %get3A_301] {strides = array<i32>} : memref<2x10496xi32, #tpu.memory_space<vmem>>, vector<16xi32>,
        %eq3A_303 = arith.cmpi eq, %get3A_302, %get3A_3 : vector<16xi32>
        %select_n3A_304 = arith.select %eq3A_303, %broadcast_in_dim3A_6, %broadcast_in_dim3A_4 : vector<16xi1>, vector<16xf32>
        %swap3A_305 = arith.constant 0 : i32
        %swap3A_306 = arith.index_cast %swap3A_305 : i32 to index
        %swap3A_307 = arith.constant 16 : index
        %swap3A_308 = tpu.vector_load %arg6[%swap3A_306, %swap3A_307] {strides = array<i32>} : memref<4x128xf32, #tpu.memory_space<vmem>>, vector<16xf32>,
        tpu.vector_store %arg6[%swap3A_306, %swap3A_307], %select_n3A_304 {strides = array<i32>} : memref<4x128xf32, #tpu.memory_space<vmem>>, vector<16xf32>,
        %add3A_309 = arith.constant 0 : i32
        %add3A_310 = arith.addi %min3A_26, %add3A_309 : i32
        %add3A_311 = arith.constant 32 : i32
        %add3A_312 = arith.addi %add3A_310, %add3A_311 : i32
        %get3A_313 = arith.constant 0 : i32
        %get3A_314 = arith.index_cast %get3A_313 : i32 to index
        %get3A_315 = arith.index_cast %add3A_312 : i32 to index
        %get3A_316 = tpu.vector_load %arg5[%get3A_314, %get3A_315] {strides = array<i32>} : memref<2x10496xi32, #tpu.memory_space<vmem>>, vector<16xi32>,
        %eq3A_317 = arith.cmpi eq, %get3A_316, %get3A_3 : vector<16xi32>
        %select_n3A_318 = arith.select %eq3A_317, %broadcast_in_dim3A_6, %broadcast_in_dim3A_4 : vector<16xi1>, vector<16xf32>
        %swap3A_319 = arith.constant 0 : i32
        %swap3A_320 = arith.index_cast %swap3A_319 : i32 to index
        %swap3A_321 = arith.constant 32 : index
        %swap3A_322 = tpu.vector_load %arg6[%swap3A_320, %swap3A_321] {strides = array<i32>} : memref<4x128xf32, #tpu.memory_space<vmem>>, vector<16xf32>,
        tpu.vector_store %arg6[%swap3A_320, %swap3A_321], %select_n3A_318 {strides = array<i32>} : memref<4x128xf32, #tpu.memory_space<vmem>>, vector<16xf32>,
        %add3A_323 = arith.constant 0 : i32
        %add3A_324 = arith.addi %min3A_26, %add3A_323 : i32
        %add3A_325 = arith.constant 48 : i32
        %add3A_326 = arith.addi %add3A_324, %add3A_325 : i32
        %get3A_327 = arith.constant 0 : i32
        %get3A_328 = arith.index_cast %get3A_327 : i32 to index
        %get3A_329 = arith.index_cast %add3A_326 : i32 to index
        %get3A_330 = tpu.vector_load %arg5[%get3A_328, %get3A_329] {strides = array<i32>} : memref<2x10496xi32, #tpu.memory_space<vmem>>, vector<16xi32>,
        %eq3A_331 = arith.cmpi eq, %get3A_330, %get3A_3 : vector<16xi32>
        %select_n3A_332 = arith.select %eq3A_331, %broadcast_in_dim3A_6, %broadcast_in_dim3A_4 : vector<16xi1>, vector<16xf32>
        %swap3A_333 = arith.constant 0 : i32
        %swap3A_334 = arith.index_cast %swap3A_333 : i32 to index
        %swap3A_335 = arith.constant 48 : index
        %swap3A_336 = tpu.vector_load %arg6[%swap3A_334, %swap3A_335] {strides = array<i32>} : memref<4x128xf32, #tpu.memory_space<vmem>>, vector<16xf32>,
        tpu.vector_store %arg6[%swap3A_334, %swap3A_335], %select_n3A_332 {strides = array<i32>} : memref<4x128xf32, #tpu.memory_space<vmem>>, vector<16xf32>,
        %add3A_337 = arith.constant 0 : i32
        %add3A_338 = arith.addi %min3A_26, %add3A_337 : i32
        %add3A_339 = arith.constant 64 : i32
        %add3A_340 = arith.addi %add3A_338, %add3A_339 : i32
        %get3A_341 = arith.constant 0 : i32
        %get3A_342 = arith.index_cast %get3A_341 : i32 to index
        %get3A_343 = arith.index_cast %add3A_340 : i32 to index
        %get3A_344 = tpu.vector_load %arg5[%get3A_342, %get3A_343] {strides = array<i32>} : memref<2x10496xi32, #tpu.memory_space<vmem>>, vector<16xi32>,
        %eq3A_345 = arith.cmpi eq, %get3A_344, %get3A_3 : vector<16xi32>
        %select_n3A_346 = arith.select %eq3A_345, %broadcast_in_dim3A_6, %broadcast_in_dim3A_4 : vector<16xi1>, vector<16xf32>
        %swap3A_347 = arith.constant 0 : i32
        %swap3A_348 = arith.index_cast %swap3A_347 : i32 to index
        %swap3A_349 = arith.constant 64 : index
        %swap3A_350 = tpu.vector_load %arg6[%swap3A_348, %swap3A_349] {strides = array<i32>} : memref<4x128xf32, #tpu.memory_space<vmem>>, vector<16xf32>,
        tpu.vector_store %arg6[%swap3A_348, %swap3A_349], %select_n3A_346 {strides = array<i32>} : memref<4x128xf32, #tpu.memory_space<vmem>>, vector<16xf32>,
        %add3A_351 = arith.constant 0 : i32
        %add3A_352 = arith.addi %min3A_26, %add3A_351 : i32
        %add3A_353 = arith.constant 80 : i32
        %add3A_354 = arith.addi %add3A_352, %add3A_353 : i32
        %get3A_355 = arith.constant 0 : i32
        %get3A_356 = arith.index_cast %get3A_355 : i32 to index
        %get3A_357 = arith.index_cast %add3A_354 : i32 to index
        %get3A_358 = tpu.vector_load %arg5[%get3A_356, %get3A_357] {strides = array<i32>} : memref<2x10496xi32, #tpu.memory_space<vmem>>, vector<16xi32>,
        %eq3A_359 = arith.cmpi eq, %get3A_358, %get3A_3 : vector<16xi32>
        %select_n3A_360 = arith.select %eq3A_359, %broadcast_in_dim3A_6, %broadcast_in_dim3A_4 : vector<16xi1>, vector<16xf32>
        %swap3A_361 = arith.constant 0 : i32
        %swap3A_362 = arith.index_cast %swap3A_361 : i32 to index
        %swap3A_363 = arith.constant 80 : index
        %swap3A_364 = tpu.vector_load %arg6[%swap3A_362, %swap3A_363] {strides = array<i32>} : memref<4x128xf32, #tpu.memory_space<vmem>>, vector<16xf32>,
        tpu.vector_store %arg6[%swap3A_362, %swap3A_363], %select_n3A_360 {strides = array<i32>} : memref<4x128xf32, #tpu.memory_space<vmem>>, vector<16xf32>,
        %add3A_365 = arith.constant 0 : i32
        %add3A_366 = arith.addi %min3A_26, %add3A_365 : i32
        %add3A_367 = arith.constant 96 : i32
        %add3A_368 = arith.addi %add3A_366, %add3A_367 : i32
        %get3A_369 = arith.constant 0 : i32
        %get3A_370 = arith.index_cast %get3A_369 : i32 to index
        %get3A_371 = arith.index_cast %add3A_368 : i32 to index
        %get3A_372 = tpu.vector_load %arg5[%get3A_370, %get3A_371] {strides = array<i32>} : memref<2x10496xi32, #tpu.memory_space<vmem>>, vector<16xi32>,
        %eq3A_373 = arith.cmpi eq, %get3A_372, %get3A_3 : vector<16xi32>
        %select_n3A_374 = arith.select %eq3A_373, %broadcast_in_dim3A_6, %broadcast_in_dim3A_4 : vector<16xi1>, vector<16xf32>
        %swap3A_375 = arith.constant 0 : i32
        %swap3A_376 = arith.index_cast %swap3A_375 : i32 to index
        %swap3A_377 = arith.constant 96 : index
        %swap3A_378 = tpu.vector_load %arg6[%swap3A_376, %swap3A_377] {strides = array<i32>} : memref<4x128xf32, #tpu.memory_space<vmem>>, vector<16xf32>,
        tpu.vector_store %arg6[%swap3A_376, %swap3A_377], %select_n3A_374 {strides = array<i32>} : memref<4x128xf32, #tpu.memory_space<vmem>>, vector<16xf32>,
        %add3A_379 = arith.constant 0 : i32
        %add3A_380 = arith.addi %min3A_26, %add3A_379 : i32
        %add3A_381 = arith.constant 112 : i32
        %add3A_382 = arith.addi %add3A_380, %add3A_381 : i32
        %get3A_383 = arith.constant 0 : i32
        %get3A_384 = arith.index_cast %get3A_383 : i32 to index
        %get3A_385 = arith.index_cast %add3A_382 : i32 to index
        %get3A_386 = tpu.vector_load %arg5[%get3A_384, %get3A_385] {strides = array<i32>} : memref<2x10496xi32, #tpu.memory_space<vmem>>, vector<16xi32>,
        %eq3A_387 = arith.cmpi eq, %get3A_386, %get3A_3 : vector<16xi32>
        %select_n3A_388 = arith.select %eq3A_387, %broadcast_in_dim3A_6, %broadcast_in_dim3A_4 : vector<16xi1>, vector<16xf32>
        %swap3A_389 = arith.constant 0 : i32
        %swap3A_390 = arith.index_cast %swap3A_389 : i32 to index
        %swap3A_391 = arith.constant 112 : index
        %swap3A_392 = tpu.vector_load %arg6[%swap3A_390, %swap3A_391] {strides = array<i32>} : memref<4x128xf32, #tpu.memory_space<vmem>>, vector<16xf32>,
        tpu.vector_store %arg6[%swap3A_390, %swap3A_391], %select_n3A_388 {strides = array<i32>} : memref<4x128xf32, #tpu.memory_space<vmem>>, vector<16xf32>,
        %add3A_393 = arith.addi %mul3A_2, %min3A_26 : i32
        %add3A_394 = arith.constant 0 : i32
        %add3A_395 = arith.addi %add3A_393, %add3A_394 : i32
        "tpu.region"() ({
          %run_scoped3A_748 = tpu.sem_alloc : memref<!tpu.dma_semaphore, #tpu.memory_space<semaphore_mem>>
          %dma_start3A = arith.constant 0 : i32
          %dma_start3A_749 = tpu.memref_slice %arg2[%dma_start3A, %add3A_395] : memref<2x320000xi32, #tpu.memory_space<hbm>> -> memref<2x128xi32, #tpu.memory_space<hbm>>
          %dma_start3A_750 = arith.constant 0 : i32
          %dma_start3A_751 = tpu.memref_slice %arg2[%dma_start3A_750, %add3A_395] : memref<2x320000xi32, #tpu.memory_space<hbm>> -> memref<2x128xi32, #tpu.memory_space<hbm>>
          tpu.enqueue_dma source(%dma_start3A_751 : memref<2x128xi32, #tpu.memory_space<hbm>>) target(%arg7 : memref<2x128xi32, #tpu.memory_space<vmem>>) target_semaphore(%run_scoped3A_748 : memref<!tpu.dma_semaphore, #tpu.memory_space<semaphore_mem>>)
          %dma_wait3A = arith.constant 0 : i32
          %dma_wait3A_752 = tpu.memref_slice %arg2[%dma_wait3A, %add3A_395] : memref<2x320000xi32, #tpu.memory_space<hbm>> -> memref<2x128xi32, #tpu.memory_space<hbm>>
          %dma_wait3A_753 = arith.constant 0 : i32
          %dma_wait3A_754 = tpu.memref_slice %arg2[%dma_wait3A_753, %add3A_395] : memref<2x320000xi32, #tpu.memory_space<hbm>> -> memref<2x128xi32, #tpu.memory_space<hbm>>
          tpu.wait_dma2 semaphore(%run_scoped3A_748 : memref<!tpu.dma_semaphore, #tpu.memory_space<semaphore_mem>>) src(%dma_wait3A_754 : memref<2x128xi32, #tpu.memory_space<hbm>>) dst(%arg7 : memref<2x128xi32, #tpu.memory_space<vmem>>)
          tpu.yield
        }) : () -> ()
        %run_scoped3A = arith.constant 0 : i32
        %run_scoped3A_396 = arith.constant 1 : i32
        "tpu.region"() ({
          %run_scoped3A_748 = tpu.sem_alloc : memref<!tpu.dma_semaphore, #tpu.memory_space<semaphore_mem>>
          %dma_start3A = arith.constant 0 : i32
          %dma_start3A_749 = tpu.memref_slice %arg6[%run_scoped3A, %dma_start3A] : memref<4x128xf32, #tpu.memory_space<vmem>> -> memref<1x128xf32, #tpu.memory_space<vmem>>
          %dma_start3A_750 = tpu.memref_squeeze %dma_start3A_749 : memref<1x128xf32, #tpu.memory_space<vmem>> -> memref<128xf32, #tpu.memory_space<vmem>>
          %dma_start3A_751 = arith.constant 0 : i32
          %dma_start3A_752 = tpu.memref_slice %arg7[%run_scoped3A_396, %dma_start3A_751] : memref<2x128xi32, #tpu.memory_space<vmem>> -> memref<1x128xi32, #tpu.memory_space<vmem>>
          %dma_start3A_753 = tpu.memref_squeeze %dma_start3A_752 : memref<1x128xi32, #tpu.memory_space<vmem>> -> memref<128xi32, #tpu.memory_space<vmem>>
          %dma_start3A_754 = arith.constant 0 : i32
          %dma_start3A_755 = tpu.memref_slice %arg10[%dma_start3A_754] : memref<10240xf32, #tpu.memory_space<vmem_shared>> -> memref<10240xf32, #tpu.memory_space<vmem_shared>>
          tpu.enqueue_indirect_dma source(%dma_start3A_750 : memref<128xf32, #tpu.memory_space<vmem>>) target(%dma_start3A_755 : memref<10240xf32, #tpu.memory_space<vmem_shared>>) offsets(%dma_start3A_753 : memref<128xi32, #tpu.memory_space<vmem>>) semaphore(%run_scoped3A_748 : memref<!tpu.dma_semaphore, #tpu.memory_space<semaphore_mem>>) {add = true}
          %dma_wait3A = arith.constant 0 : i32
          %dma_wait3A_756 = tpu.memref_slice %arg6[%run_scoped3A, %dma_wait3A] : memref<4x128xf32, #tpu.memory_space<vmem>> -> memref<1x128xf32, #tpu.memory_space<vmem>>
          %dma_wait3A_757 = tpu.memref_squeeze %dma_wait3A_756 : memref<1x128xf32, #tpu.memory_space<vmem>> -> memref<128xf32, #tpu.memory_space<vmem>>
          %dma_wait3A_758 = arith.constant 0 : i32
          %dma_wait3A_759 = tpu.memref_slice %arg7[%run_scoped3A_396, %dma_wait3A_758] : memref<2x128xi32, #tpu.memory_space<vmem>> -> memref<1x128xi32, #tpu.memory_space<vmem>>
          %dma_wait3A_760 = tpu.memref_squeeze %dma_wait3A_759 : memref<1x128xi32, #tpu.memory_space<vmem>> -> memref<128xi32, #tpu.memory_space<vmem>>
          %dma_wait3A_761 = arith.constant 0 : i32
          %dma_wait3A_762 = tpu.memref_slice %arg10[%dma_wait3A_761] : memref<10240xf32, #tpu.memory_space<vmem_shared>> -> memref<10240xf32, #tpu.memory_space<vmem_shared>>
          tpu.wait_indirect_dma semaphore(%run_scoped3A_748 : memref<!tpu.dma_semaphore, #tpu.memory_space<semaphore_mem>>) src(%dma_wait3A_757 : memref<128xf32, #tpu.memory_space<vmem>>) dst(%dma_wait3A_762 : memref<10240xf32, #tpu.memory_space<vmem_shared>>)
          tpu.yield
        }) : () -> ()
        %add3A_397 = arith.constant 128 : i32
        %add3A_398 = arith.addi %min3A_26, %add3A_397 : i32
        %add3A_399 = arith.constant 0 : i32
        %add3A_400 = arith.addi %add3A_398, %add3A_399 : i32
        %get3A_401 = arith.constant 0 : i32
        %get3A_402 = arith.index_cast %get3A_401 : i32 to index
        %get3A_403 = arith.index_cast %add3A_400 : i32 to index
        %get3A_404 = tpu.vector_load %arg5[%get3A_402, %get3A_403] {strides = array<i32>} : memref<2x10496xi32, #tpu.memory_space<vmem>>, vector<16xi32>,
        %eq3A_405 = arith.cmpi eq, %get3A_404, %get3A_3 : vector<16xi32>
        %select_n3A_406 = arith.select %eq3A_405, %broadcast_in_dim3A_6, %broadcast_in_dim3A_4 : vector<16xi1>, vector<16xf32>
        %swap3A_407 = arith.constant 1 : i32
        %swap3A_408 = arith.index_cast %swap3A_407 : i32 to index
        %swap3A_409 = arith.constant 0 : index
        %swap3A_410 = tpu.vector_load %arg6[%swap3A_408, %swap3A_409] {strides = array<i32>} : memref<4x128xf32, #tpu.memory_space<vmem>>, vector<16xf32>,
        tpu.vector_store %arg6[%swap3A_408, %swap3A_409], %select_n3A_406 {strides = array<i32>} : memref<4x128xf32, #tpu.memory_space<vmem>>, vector<16xf32>,
        %add3A_411 = arith.constant 128 : i32
        %add3A_412 = arith.addi %min3A_26, %add3A_411 : i32
        %add3A_413 = arith.constant 16 : i32
        %add3A_414 = arith.addi %add3A_412, %add3A_413 : i32
        %get3A_415 = arith.constant 0 : i32
        %get3A_416 = arith.index_cast %get3A_415 : i32 to index
        %get3A_417 = arith.index_cast %add3A_414 : i32 to index
        %get3A_418 = tpu.vector_load %arg5[%get3A_416, %get3A_417] {strides = array<i32>} : memref<2x10496xi32, #tpu.memory_space<vmem>>, vector<16xi32>,
        %eq3A_419 = arith.cmpi eq, %get3A_418, %get3A_3 : vector<16xi32>
        %select_n3A_420 = arith.select %eq3A_419, %broadcast_in_dim3A_6, %broadcast_in_dim3A_4 : vector<16xi1>, vector<16xf32>
        %swap3A_421 = arith.constant 1 : i32
        %swap3A_422 = arith.index_cast %swap3A_421 : i32 to index
        %swap3A_423 = arith.constant 16 : index
        %swap3A_424 = tpu.vector_load %arg6[%swap3A_422, %swap3A_423] {strides = array<i32>} : memref<4x128xf32, #tpu.memory_space<vmem>>, vector<16xf32>,
        tpu.vector_store %arg6[%swap3A_422, %swap3A_423], %select_n3A_420 {strides = array<i32>} : memref<4x128xf32, #tpu.memory_space<vmem>>, vector<16xf32>,
        %add3A_425 = arith.constant 128 : i32
        %add3A_426 = arith.addi %min3A_26, %add3A_425 : i32
        %add3A_427 = arith.constant 32 : i32
        %add3A_428 = arith.addi %add3A_426, %add3A_427 : i32
        %get3A_429 = arith.constant 0 : i32
        %get3A_430 = arith.index_cast %get3A_429 : i32 to index
        %get3A_431 = arith.index_cast %add3A_428 : i32 to index
        %get3A_432 = tpu.vector_load %arg5[%get3A_430, %get3A_431] {strides = array<i32>} : memref<2x10496xi32, #tpu.memory_space<vmem>>, vector<16xi32>,
        %eq3A_433 = arith.cmpi eq, %get3A_432, %get3A_3 : vector<16xi32>
        %select_n3A_434 = arith.select %eq3A_433, %broadcast_in_dim3A_6, %broadcast_in_dim3A_4 : vector<16xi1>, vector<16xf32>
        %swap3A_435 = arith.constant 1 : i32
        %swap3A_436 = arith.index_cast %swap3A_435 : i32 to index
        %swap3A_437 = arith.constant 32 : index
        %swap3A_438 = tpu.vector_load %arg6[%swap3A_436, %swap3A_437] {strides = array<i32>} : memref<4x128xf32, #tpu.memory_space<vmem>>, vector<16xf32>,
        tpu.vector_store %arg6[%swap3A_436, %swap3A_437], %select_n3A_434 {strides = array<i32>} : memref<4x128xf32, #tpu.memory_space<vmem>>, vector<16xf32>,
        %add3A_439 = arith.constant 128 : i32
        %add3A_440 = arith.addi %min3A_26, %add3A_439 : i32
        %add3A_441 = arith.constant 48 : i32
        %add3A_442 = arith.addi %add3A_440, %add3A_441 : i32
        %get3A_443 = arith.constant 0 : i32
        %get3A_444 = arith.index_cast %get3A_443 : i32 to index
        %get3A_445 = arith.index_cast %add3A_442 : i32 to index
        %get3A_446 = tpu.vector_load %arg5[%get3A_444, %get3A_445] {strides = array<i32>} : memref<2x10496xi32, #tpu.memory_space<vmem>>, vector<16xi32>,
        %eq3A_447 = arith.cmpi eq, %get3A_446, %get3A_3 : vector<16xi32>
        %select_n3A_448 = arith.select %eq3A_447, %broadcast_in_dim3A_6, %broadcast_in_dim3A_4 : vector<16xi1>, vector<16xf32>
        %swap3A_449 = arith.constant 1 : i32
        %swap3A_450 = arith.index_cast %swap3A_449 : i32 to index
        %swap3A_451 = arith.constant 48 : index
        %swap3A_452 = tpu.vector_load %arg6[%swap3A_450, %swap3A_451] {strides = array<i32>} : memref<4x128xf32, #tpu.memory_space<vmem>>, vector<16xf32>,
        tpu.vector_store %arg6[%swap3A_450, %swap3A_451], %select_n3A_448 {strides = array<i32>} : memref<4x128xf32, #tpu.memory_space<vmem>>, vector<16xf32>,
        %add3A_453 = arith.constant 128 : i32
        %add3A_454 = arith.addi %min3A_26, %add3A_453 : i32
        %add3A_455 = arith.constant 64 : i32
        %add3A_456 = arith.addi %add3A_454, %add3A_455 : i32
        %get3A_457 = arith.constant 0 : i32
        %get3A_458 = arith.index_cast %get3A_457 : i32 to index
        %get3A_459 = arith.index_cast %add3A_456 : i32 to index
        %get3A_460 = tpu.vector_load %arg5[%get3A_458, %get3A_459] {strides = array<i32>} : memref<2x10496xi32, #tpu.memory_space<vmem>>, vector<16xi32>,
        %eq3A_461 = arith.cmpi eq, %get3A_460, %get3A_3 : vector<16xi32>
        %select_n3A_462 = arith.select %eq3A_461, %broadcast_in_dim3A_6, %broadcast_in_dim3A_4 : vector<16xi1>, vector<16xf32>
        %swap3A_463 = arith.constant 1 : i32
        %swap3A_464 = arith.index_cast %swap3A_463 : i32 to index
        %swap3A_465 = arith.constant 64 : index
        %swap3A_466 = tpu.vector_load %arg6[%swap3A_464, %swap3A_465] {strides = array<i32>} : memref<4x128xf32, #tpu.memory_space<vmem>>, vector<16xf32>,
        tpu.vector_store %arg6[%swap3A_464, %swap3A_465], %select_n3A_462 {strides = array<i32>} : memref<4x128xf32, #tpu.memory_space<vmem>>, vector<16xf32>,
        %add3A_467 = arith.constant 128 : i32
        %add3A_468 = arith.addi %min3A_26, %add3A_467 : i32
        %add3A_469 = arith.constant 80 : i32
        %add3A_470 = arith.addi %add3A_468, %add3A_469 : i32
        %get3A_471 = arith.constant 0 : i32
        %get3A_472 = arith.index_cast %get3A_471 : i32 to index
        %get3A_473 = arith.index_cast %add3A_470 : i32 to index
        %get3A_474 = tpu.vector_load %arg5[%get3A_472, %get3A_473] {strides = array<i32>} : memref<2x10496xi32, #tpu.memory_space<vmem>>, vector<16xi32>,
        %eq3A_475 = arith.cmpi eq, %get3A_474, %get3A_3 : vector<16xi32>
        %select_n3A_476 = arith.select %eq3A_475, %broadcast_in_dim3A_6, %broadcast_in_dim3A_4 : vector<16xi1>, vector<16xf32>
        %swap3A_477 = arith.constant 1 : i32
        %swap3A_478 = arith.index_cast %swap3A_477 : i32 to index
        %swap3A_479 = arith.constant 80 : index
        %swap3A_480 = tpu.vector_load %arg6[%swap3A_478, %swap3A_479] {strides = array<i32>} : memref<4x128xf32, #tpu.memory_space<vmem>>, vector<16xf32>,
        tpu.vector_store %arg6[%swap3A_478, %swap3A_479], %select_n3A_476 {strides = array<i32>} : memref<4x128xf32, #tpu.memory_space<vmem>>, vector<16xf32>,
        %add3A_481 = arith.constant 128 : i32
        %add3A_482 = arith.addi %min3A_26, %add3A_481 : i32
        %add3A_483 = arith.constant 96 : i32
        %add3A_484 = arith.addi %add3A_482, %add3A_483 : i32
        %get3A_485 = arith.constant 0 : i32
        %get3A_486 = arith.index_cast %get3A_485 : i32 to index
        %get3A_487 = arith.index_cast %add3A_484 : i32 to index
        %get3A_488 = tpu.vector_load %arg5[%get3A_486, %get3A_487] {strides = array<i32>} : memref<2x10496xi32, #tpu.memory_space<vmem>>, vector<16xi32>,
        %eq3A_489 = arith.cmpi eq, %get3A_488, %get3A_3 : vector<16xi32>
        %select_n3A_490 = arith.select %eq3A_489, %broadcast_in_dim3A_6, %broadcast_in_dim3A_4 : vector<16xi1>, vector<16xf32>
        %swap3A_491 = arith.constant 1 : i32
        %swap3A_492 = arith.index_cast %swap3A_491 : i32 to index
        %swap3A_493 = arith.constant 96 : index
        %swap3A_494 = tpu.vector_load %arg6[%swap3A_492, %swap3A_493] {strides = array<i32>} : memref<4x128xf32, #tpu.memory_space<vmem>>, vector<16xf32>,
        tpu.vector_store %arg6[%swap3A_492, %swap3A_493], %select_n3A_490 {strides = array<i32>} : memref<4x128xf32, #tpu.memory_space<vmem>>, vector<16xf32>,
        %add3A_495 = arith.constant 128 : i32
        %add3A_496 = arith.addi %min3A_26, %add3A_495 : i32
        %add3A_497 = arith.constant 112 : i32
        %add3A_498 = arith.addi %add3A_496, %add3A_497 : i32
        %get3A_499 = arith.constant 0 : i32
        %get3A_500 = arith.index_cast %get3A_499 : i32 to index
        %get3A_501 = arith.index_cast %add3A_498 : i32 to index
        %get3A_502 = tpu.vector_load %arg5[%get3A_500, %get3A_501] {strides = array<i32>} : memref<2x10496xi32, #tpu.memory_space<vmem>>, vector<16xi32>,
        %eq3A_503 = arith.cmpi eq, %get3A_502, %get3A_3 : vector<16xi32>
        %select_n3A_504 = arith.select %eq3A_503, %broadcast_in_dim3A_6, %broadcast_in_dim3A_4 : vector<16xi1>, vector<16xf32>
        %swap3A_505 = arith.constant 1 : i32
        %swap3A_506 = arith.index_cast %swap3A_505 : i32 to index
        %swap3A_507 = arith.constant 112 : index
        %swap3A_508 = tpu.vector_load %arg6[%swap3A_506, %swap3A_507] {strides = array<i32>} : memref<4x128xf32, #tpu.memory_space<vmem>>, vector<16xf32>,
        tpu.vector_store %arg6[%swap3A_506, %swap3A_507], %select_n3A_504 {strides = array<i32>} : memref<4x128xf32, #tpu.memory_space<vmem>>, vector<16xf32>,
        %add3A_509 = arith.addi %mul3A_2, %min3A_26 : i32
        %add3A_510 = arith.constant 128 : i32
        %add3A_511 = arith.addi %add3A_509, %add3A_510 : i32
        "tpu.region"() ({
          %run_scoped3A_748 = tpu.sem_alloc : memref<!tpu.dma_semaphore, #tpu.memory_space<semaphore_mem>>
          %dma_start3A = arith.constant 0 : i32
          %dma_start3A_749 = tpu.memref_slice %arg2[%dma_start3A, %add3A_511] : memref<2x320000xi32, #tpu.memory_space<hbm>> -> memref<2x128xi32, #tpu.memory_space<hbm>>
          %dma_start3A_750 = arith.constant 0 : i32
          %dma_start3A_751 = tpu.memref_slice %arg2[%dma_start3A_750, %add3A_511] : memref<2x320000xi32, #tpu.memory_space<hbm>> -> memref<2x128xi32, #tpu.memory_space<hbm>>
          tpu.enqueue_dma source(%dma_start3A_751 : memref<2x128xi32, #tpu.memory_space<hbm>>) target(%arg7 : memref<2x128xi32, #tpu.memory_space<vmem>>) target_semaphore(%run_scoped3A_748 : memref<!tpu.dma_semaphore, #tpu.memory_space<semaphore_mem>>)
          %dma_wait3A = arith.constant 0 : i32
          %dma_wait3A_752 = tpu.memref_slice %arg2[%dma_wait3A, %add3A_511] : memref<2x320000xi32, #tpu.memory_space<hbm>> -> memref<2x128xi32, #tpu.memory_space<hbm>>
          %dma_wait3A_753 = arith.constant 0 : i32
          %dma_wait3A_754 = tpu.memref_slice %arg2[%dma_wait3A_753, %add3A_511] : memref<2x320000xi32, #tpu.memory_space<hbm>> -> memref<2x128xi32, #tpu.memory_space<hbm>>
          tpu.wait_dma2 semaphore(%run_scoped3A_748 : memref<!tpu.dma_semaphore, #tpu.memory_space<semaphore_mem>>) src(%dma_wait3A_754 : memref<2x128xi32, #tpu.memory_space<hbm>>) dst(%arg7 : memref<2x128xi32, #tpu.memory_space<vmem>>)
          tpu.yield
        }) : () -> ()
        %run_scoped3A_512 = arith.constant 1 : i32
        %run_scoped3A_513 = arith.constant 1 : i32
        "tpu.region"() ({
          %run_scoped3A_748 = tpu.sem_alloc : memref<!tpu.dma_semaphore, #tpu.memory_space<semaphore_mem>>
          %dma_start3A = arith.constant 0 : i32
          %dma_start3A_749 = tpu.memref_slice %arg6[%run_scoped3A_512, %dma_start3A] : memref<4x128xf32, #tpu.memory_space<vmem>> -> memref<1x128xf32, #tpu.memory_space<vmem>>
          %dma_start3A_750 = tpu.memref_squeeze %dma_start3A_749 : memref<1x128xf32, #tpu.memory_space<vmem>> -> memref<128xf32, #tpu.memory_space<vmem>>
          %dma_start3A_751 = arith.constant 0 : i32
          %dma_start3A_752 = tpu.memref_slice %arg7[%run_scoped3A_513, %dma_start3A_751] : memref<2x128xi32, #tpu.memory_space<vmem>> -> memref<1x128xi32, #tpu.memory_space<vmem>>
          %dma_start3A_753 = tpu.memref_squeeze %dma_start3A_752 : memref<1x128xi32, #tpu.memory_space<vmem>> -> memref<128xi32, #tpu.memory_space<vmem>>
          %dma_start3A_754 = arith.constant 0 : i32
          %dma_start3A_755 = tpu.memref_slice %arg10[%dma_start3A_754] : memref<10240xf32, #tpu.memory_space<vmem_shared>> -> memref<10240xf32, #tpu.memory_space<vmem_shared>>
          tpu.enqueue_indirect_dma source(%dma_start3A_750 : memref<128xf32, #tpu.memory_space<vmem>>) target(%dma_start3A_755 : memref<10240xf32, #tpu.memory_space<vmem_shared>>) offsets(%dma_start3A_753 : memref<128xi32, #tpu.memory_space<vmem>>) semaphore(%run_scoped3A_748 : memref<!tpu.dma_semaphore, #tpu.memory_space<semaphore_mem>>) {add = true}
          %dma_wait3A = arith.constant 0 : i32
          %dma_wait3A_756 = tpu.memref_slice %arg6[%run_scoped3A_512, %dma_wait3A] : memref<4x128xf32, #tpu.memory_space<vmem>> -> memref<1x128xf32, #tpu.memory_space<vmem>>
          %dma_wait3A_757 = tpu.memref_squeeze %dma_wait3A_756 : memref<1x128xf32, #tpu.memory_space<vmem>> -> memref<128xf32, #tpu.memory_space<vmem>>
          %dma_wait3A_758 = arith.constant 0 : i32
          %dma_wait3A_759 = tpu.memref_slice %arg7[%run_scoped3A_513, %dma_wait3A_758] : memref<2x128xi32, #tpu.memory_space<vmem>> -> memref<1x128xi32, #tpu.memory_space<vmem>>
          %dma_wait3A_760 = tpu.memref_squeeze %dma_wait3A_759 : memref<1x128xi32, #tpu.memory_space<vmem>> -> memref<128xi32, #tpu.memory_space<vmem>>
          %dma_wait3A_761 = arith.constant 0 : i32
          %dma_wait3A_762 = tpu.memref_slice %arg10[%dma_wait3A_761] : memref<10240xf32, #tpu.memory_space<vmem_shared>> -> memref<10240xf32, #tpu.memory_space<vmem_shared>>
          tpu.wait_indirect_dma semaphore(%run_scoped3A_748 : memref<!tpu.dma_semaphore, #tpu.memory_space<semaphore_mem>>) src(%dma_wait3A_757 : memref<128xf32, #tpu.memory_space<vmem>>) dst(%dma_wait3A_762 : memref<10240xf32, #tpu.memory_space<vmem_shared>>)
          tpu.yield
        }) : () -> ()
        %add3A_514 = arith.constant 256 : i32
        %add3A_515 = arith.addi %min3A_26, %add3A_514 : i32
        %add3A_516 = arith.constant 0 : i32
        %add3A_517 = arith.addi %add3A_515, %add3A_516 : i32
        %get3A_518 = arith.constant 0 : i32
        %get3A_519 = arith.index_cast %get3A_518 : i32 to index
        %get3A_520 = arith.index_cast %add3A_517 : i32 to index
        %get3A_521 = tpu.vector_load %arg5[%get3A_519, %get3A_520] {strides = array<i32>} : memref<2x10496xi32, #tpu.memory_space<vmem>>, vector<16xi32>,
        %eq3A_522 = arith.cmpi eq, %get3A_521, %get3A_3 : vector<16xi32>
        %select_n3A_523 = arith.select %eq3A_522, %broadcast_in_dim3A_6, %broadcast_in_dim3A_4 : vector<16xi1>, vector<16xf32>
        %swap3A_524 = arith.constant 2 : i32
        %swap3A_525 = arith.index_cast %swap3A_524 : i32 to index
        %swap3A_526 = arith.constant 0 : index
        %swap3A_527 = tpu.vector_load %arg6[%swap3A_525, %swap3A_526] {strides = array<i32>} : memref<4x128xf32, #tpu.memory_space<vmem>>, vector<16xf32>,
        tpu.vector_store %arg6[%swap3A_525, %swap3A_526], %select_n3A_523 {strides = array<i32>} : memref<4x128xf32, #tpu.memory_space<vmem>>, vector<16xf32>,
        %add3A_528 = arith.constant 256 : i32
        %add3A_529 = arith.addi %min3A_26, %add3A_528 : i32
        %add3A_530 = arith.constant 16 : i32
        %add3A_531 = arith.addi %add3A_529, %add3A_530 : i32
        %get3A_532 = arith.constant 0 : i32
        %get3A_533 = arith.index_cast %get3A_532 : i32 to index
        %get3A_534 = arith.index_cast %add3A_531 : i32 to index
        %get3A_535 = tpu.vector_load %arg5[%get3A_533, %get3A_534] {strides = array<i32>} : memref<2x10496xi32, #tpu.memory_space<vmem>>, vector<16xi32>,
        %eq3A_536 = arith.cmpi eq, %get3A_535, %get3A_3 : vector<16xi32>
        %select_n3A_537 = arith.select %eq3A_536, %broadcast_in_dim3A_6, %broadcast_in_dim3A_4 : vector<16xi1>, vector<16xf32>
        %swap3A_538 = arith.constant 2 : i32
        %swap3A_539 = arith.index_cast %swap3A_538 : i32 to index
        %swap3A_540 = arith.constant 16 : index
        %swap3A_541 = tpu.vector_load %arg6[%swap3A_539, %swap3A_540] {strides = array<i32>} : memref<4x128xf32, #tpu.memory_space<vmem>>, vector<16xf32>,
        tpu.vector_store %arg6[%swap3A_539, %swap3A_540], %select_n3A_537 {strides = array<i32>} : memref<4x128xf32, #tpu.memory_space<vmem>>, vector<16xf32>,
        %add3A_542 = arith.constant 256 : i32
        %add3A_543 = arith.addi %min3A_26, %add3A_542 : i32
        %add3A_544 = arith.constant 32 : i32
        %add3A_545 = arith.addi %add3A_543, %add3A_544 : i32
        %get3A_546 = arith.constant 0 : i32
        %get3A_547 = arith.index_cast %get3A_546 : i32 to index
        %get3A_548 = arith.index_cast %add3A_545 : i32 to index
        %get3A_549 = tpu.vector_load %arg5[%get3A_547, %get3A_548] {strides = array<i32>} : memref<2x10496xi32, #tpu.memory_space<vmem>>, vector<16xi32>,
        %eq3A_550 = arith.cmpi eq, %get3A_549, %get3A_3 : vector<16xi32>
        %select_n3A_551 = arith.select %eq3A_550, %broadcast_in_dim3A_6, %broadcast_in_dim3A_4 : vector<16xi1>, vector<16xf32>
        %swap3A_552 = arith.constant 2 : i32
        %swap3A_553 = arith.index_cast %swap3A_552 : i32 to index
        %swap3A_554 = arith.constant 32 : index
        %swap3A_555 = tpu.vector_load %arg6[%swap3A_553, %swap3A_554] {strides = array<i32>} : memref<4x128xf32, #tpu.memory_space<vmem>>, vector<16xf32>,
        tpu.vector_store %arg6[%swap3A_553, %swap3A_554], %select_n3A_551 {strides = array<i32>} : memref<4x128xf32, #tpu.memory_space<vmem>>, vector<16xf32>,
        %add3A_556 = arith.constant 256 : i32
        %add3A_557 = arith.addi %min3A_26, %add3A_556 : i32
        %add3A_558 = arith.constant 48 : i32
        %add3A_559 = arith.addi %add3A_557, %add3A_558 : i32
        %get3A_560 = arith.constant 0 : i32
        %get3A_561 = arith.index_cast %get3A_560 : i32 to index
        %get3A_562 = arith.index_cast %add3A_559 : i32 to index
        %get3A_563 = tpu.vector_load %arg5[%get3A_561, %get3A_562] {strides = array<i32>} : memref<2x10496xi32, #tpu.memory_space<vmem>>, vector<16xi32>,
        %eq3A_564 = arith.cmpi eq, %get3A_563, %get3A_3 : vector<16xi32>
        %select_n3A_565 = arith.select %eq3A_564, %broadcast_in_dim3A_6, %broadcast_in_dim3A_4 : vector<16xi1>, vector<16xf32>
        %swap3A_566 = arith.constant 2 : i32
        %swap3A_567 = arith.index_cast %swap3A_566 : i32 to index
        %swap3A_568 = arith.constant 48 : index
        %swap3A_569 = tpu.vector_load %arg6[%swap3A_567, %swap3A_568] {strides = array<i32>} : memref<4x128xf32, #tpu.memory_space<vmem>>, vector<16xf32>,
        tpu.vector_store %arg6[%swap3A_567, %swap3A_568], %select_n3A_565 {strides = array<i32>} : memref<4x128xf32, #tpu.memory_space<vmem>>, vector<16xf32>,
        %add3A_570 = arith.constant 256 : i32
        %add3A_571 = arith.addi %min3A_26, %add3A_570 : i32
        %add3A_572 = arith.constant 64 : i32
        %add3A_573 = arith.addi %add3A_571, %add3A_572 : i32
        %get3A_574 = arith.constant 0 : i32
        %get3A_575 = arith.index_cast %get3A_574 : i32 to index
        %get3A_576 = arith.index_cast %add3A_573 : i32 to index
        %get3A_577 = tpu.vector_load %arg5[%get3A_575, %get3A_576] {strides = array<i32>} : memref<2x10496xi32, #tpu.memory_space<vmem>>, vector<16xi32>,
        %eq3A_578 = arith.cmpi eq, %get3A_577, %get3A_3 : vector<16xi32>
        %select_n3A_579 = arith.select %eq3A_578, %broadcast_in_dim3A_6, %broadcast_in_dim3A_4 : vector<16xi1>, vector<16xf32>
        %swap3A_580 = arith.constant 2 : i32
        %swap3A_581 = arith.index_cast %swap3A_580 : i32 to index
        %swap3A_582 = arith.constant 64 : index
        %swap3A_583 = tpu.vector_load %arg6[%swap3A_581, %swap3A_582] {strides = array<i32>} : memref<4x128xf32, #tpu.memory_space<vmem>>, vector<16xf32>,
        tpu.vector_store %arg6[%swap3A_581, %swap3A_582], %select_n3A_579 {strides = array<i32>} : memref<4x128xf32, #tpu.memory_space<vmem>>, vector<16xf32>,
        %add3A_584 = arith.constant 256 : i32
        %add3A_585 = arith.addi %min3A_26, %add3A_584 : i32
        %add3A_586 = arith.constant 80 : i32
        %add3A_587 = arith.addi %add3A_585, %add3A_586 : i32
        %get3A_588 = arith.constant 0 : i32
        %get3A_589 = arith.index_cast %get3A_588 : i32 to index
        %get3A_590 = arith.index_cast %add3A_587 : i32 to index
        %get3A_591 = tpu.vector_load %arg5[%get3A_589, %get3A_590] {strides = array<i32>} : memref<2x10496xi32, #tpu.memory_space<vmem>>, vector<16xi32>,
        %eq3A_592 = arith.cmpi eq, %get3A_591, %get3A_3 : vector<16xi32>
        %select_n3A_593 = arith.select %eq3A_592, %broadcast_in_dim3A_6, %broadcast_in_dim3A_4 : vector<16xi1>, vector<16xf32>
        %swap3A_594 = arith.constant 2 : i32
        %swap3A_595 = arith.index_cast %swap3A_594 : i32 to index
        %swap3A_596 = arith.constant 80 : index
        %swap3A_597 = tpu.vector_load %arg6[%swap3A_595, %swap3A_596] {strides = array<i32>} : memref<4x128xf32, #tpu.memory_space<vmem>>, vector<16xf32>,
        tpu.vector_store %arg6[%swap3A_595, %swap3A_596], %select_n3A_593 {strides = array<i32>} : memref<4x128xf32, #tpu.memory_space<vmem>>, vector<16xf32>,
        %add3A_598 = arith.constant 256 : i32
        %add3A_599 = arith.addi %min3A_26, %add3A_598 : i32
        %add3A_600 = arith.constant 96 : i32
        %add3A_601 = arith.addi %add3A_599, %add3A_600 : i32
        %get3A_602 = arith.constant 0 : i32
        %get3A_603 = arith.index_cast %get3A_602 : i32 to index
        %get3A_604 = arith.index_cast %add3A_601 : i32 to index
        %get3A_605 = tpu.vector_load %arg5[%get3A_603, %get3A_604] {strides = array<i32>} : memref<2x10496xi32, #tpu.memory_space<vmem>>, vector<16xi32>,
        %eq3A_606 = arith.cmpi eq, %get3A_605, %get3A_3 : vector<16xi32>
        %select_n3A_607 = arith.select %eq3A_606, %broadcast_in_dim3A_6, %broadcast_in_dim3A_4 : vector<16xi1>, vector<16xf32>
        %swap3A_608 = arith.constant 2 : i32
        %swap3A_609 = arith.index_cast %swap3A_608 : i32 to index
        %swap3A_610 = arith.constant 96 : index
        %swap3A_611 = tpu.vector_load %arg6[%swap3A_609, %swap3A_610] {strides = array<i32>} : memref<4x128xf32, #tpu.memory_space<vmem>>, vector<16xf32>,
        tpu.vector_store %arg6[%swap3A_609, %swap3A_610], %select_n3A_607 {strides = array<i32>} : memref<4x128xf32, #tpu.memory_space<vmem>>, vector<16xf32>,
        %add3A_612 = arith.constant 256 : i32
        %add3A_613 = arith.addi %min3A_26, %add3A_612 : i32
        %add3A_614 = arith.constant 112 : i32
        %add3A_615 = arith.addi %add3A_613, %add3A_614 : i32
        %get3A_616 = arith.constant 0 : i32
        %get3A_617 = arith.index_cast %get3A_616 : i32 to index
        %get3A_618 = arith.index_cast %add3A_615 : i32 to index
        %get3A_619 = tpu.vector_load %arg5[%get3A_617, %get3A_618] {strides = array<i32>} : memref<2x10496xi32, #tpu.memory_space<vmem>>, vector<16xi32>,
        %eq3A_620 = arith.cmpi eq, %get3A_619, %get3A_3 : vector<16xi32>
        %select_n3A_621 = arith.select %eq3A_620, %broadcast_in_dim3A_6, %broadcast_in_dim3A_4 : vector<16xi1>, vector<16xf32>
        %swap3A_622 = arith.constant 2 : i32
        %swap3A_623 = arith.index_cast %swap3A_622 : i32 to index
        %swap3A_624 = arith.constant 112 : index
        %swap3A_625 = tpu.vector_load %arg6[%swap3A_623, %swap3A_624] {strides = array<i32>} : memref<4x128xf32, #tpu.memory_space<vmem>>, vector<16xf32>,
        tpu.vector_store %arg6[%swap3A_623, %swap3A_624], %select_n3A_621 {strides = array<i32>} : memref<4x128xf32, #tpu.memory_space<vmem>>, vector<16xf32>,
        %add3A_626 = arith.addi %mul3A_2, %min3A_26 : i32
        %add3A_627 = arith.constant 256 : i32
        %add3A_628 = arith.addi %add3A_626, %add3A_627 : i32
        "tpu.region"() ({
          %run_scoped3A_748 = tpu.sem_alloc : memref<!tpu.dma_semaphore, #tpu.memory_space<semaphore_mem>>
          %dma_start3A = arith.constant 0 : i32
          %dma_start3A_749 = tpu.memref_slice %arg2[%dma_start3A, %add3A_628] : memref<2x320000xi32, #tpu.memory_space<hbm>> -> memref<2x128xi32, #tpu.memory_space<hbm>>
          %dma_start3A_750 = arith.constant 0 : i32
          %dma_start3A_751 = tpu.memref_slice %arg2[%dma_start3A_750, %add3A_628] : memref<2x320000xi32, #tpu.memory_space<hbm>> -> memref<2x128xi32, #tpu.memory_space<hbm>>
          tpu.enqueue_dma source(%dma_start3A_751 : memref<2x128xi32, #tpu.memory_space<hbm>>) target(%arg7 : memref<2x128xi32, #tpu.memory_space<vmem>>) target_semaphore(%run_scoped3A_748 : memref<!tpu.dma_semaphore, #tpu.memory_space<semaphore_mem>>)
          %dma_wait3A = arith.constant 0 : i32
          %dma_wait3A_752 = tpu.memref_slice %arg2[%dma_wait3A, %add3A_628] : memref<2x320000xi32, #tpu.memory_space<hbm>> -> memref<2x128xi32, #tpu.memory_space<hbm>>
          %dma_wait3A_753 = arith.constant 0 : i32
          %dma_wait3A_754 = tpu.memref_slice %arg2[%dma_wait3A_753, %add3A_628] : memref<2x320000xi32, #tpu.memory_space<hbm>> -> memref<2x128xi32, #tpu.memory_space<hbm>>
          tpu.wait_dma2 semaphore(%run_scoped3A_748 : memref<!tpu.dma_semaphore, #tpu.memory_space<semaphore_mem>>) src(%dma_wait3A_754 : memref<2x128xi32, #tpu.memory_space<hbm>>) dst(%arg7 : memref<2x128xi32, #tpu.memory_space<vmem>>)
          tpu.yield
        }) : () -> ()
        %run_scoped3A_629 = arith.constant 2 : i32
        %run_scoped3A_630 = arith.constant 1 : i32
        "tpu.region"() ({
          %run_scoped3A_748 = tpu.sem_alloc : memref<!tpu.dma_semaphore, #tpu.memory_space<semaphore_mem>>
          %dma_start3A = arith.constant 0 : i32
          %dma_start3A_749 = tpu.memref_slice %arg6[%run_scoped3A_629, %dma_start3A] : memref<4x128xf32, #tpu.memory_space<vmem>> -> memref<1x128xf32, #tpu.memory_space<vmem>>
          %dma_start3A_750 = tpu.memref_squeeze %dma_start3A_749 : memref<1x128xf32, #tpu.memory_space<vmem>> -> memref<128xf32, #tpu.memory_space<vmem>>
          %dma_start3A_751 = arith.constant 0 : i32
          %dma_start3A_752 = tpu.memref_slice %arg7[%run_scoped3A_630, %dma_start3A_751] : memref<2x128xi32, #tpu.memory_space<vmem>> -> memref<1x128xi32, #tpu.memory_space<vmem>>
          %dma_start3A_753 = tpu.memref_squeeze %dma_start3A_752 : memref<1x128xi32, #tpu.memory_space<vmem>> -> memref<128xi32, #tpu.memory_space<vmem>>
          %dma_start3A_754 = arith.constant 0 : i32
          %dma_start3A_755 = tpu.memref_slice %arg10[%dma_start3A_754] : memref<10240xf32, #tpu.memory_space<vmem_shared>> -> memref<10240xf32, #tpu.memory_space<vmem_shared>>
          tpu.enqueue_indirect_dma source(%dma_start3A_750 : memref<128xf32, #tpu.memory_space<vmem>>) target(%dma_start3A_755 : memref<10240xf32, #tpu.memory_space<vmem_shared>>) offsets(%dma_start3A_753 : memref<128xi32, #tpu.memory_space<vmem>>) semaphore(%run_scoped3A_748 : memref<!tpu.dma_semaphore, #tpu.memory_space<semaphore_mem>>) {add = true}
          %dma_wait3A = arith.constant 0 : i32
          %dma_wait3A_756 = tpu.memref_slice %arg6[%run_scoped3A_629, %dma_wait3A] : memref<4x128xf32, #tpu.memory_space<vmem>> -> memref<1x128xf32, #tpu.memory_space<vmem>>
          %dma_wait3A_757 = tpu.memref_squeeze %dma_wait3A_756 : memref<1x128xf32, #tpu.memory_space<vmem>> -> memref<128xf32, #tpu.memory_space<vmem>>
          %dma_wait3A_758 = arith.constant 0 : i32
          %dma_wait3A_759 = tpu.memref_slice %arg7[%run_scoped3A_630, %dma_wait3A_758] : memref<2x128xi32, #tpu.memory_space<vmem>> -> memref<1x128xi32, #tpu.memory_space<vmem>>
          %dma_wait3A_760 = tpu.memref_squeeze %dma_wait3A_759 : memref<1x128xi32, #tpu.memory_space<vmem>> -> memref<128xi32, #tpu.memory_space<vmem>>
          %dma_wait3A_761 = arith.constant 0 : i32
          %dma_wait3A_762 = tpu.memref_slice %arg10[%dma_wait3A_761] : memref<10240xf32, #tpu.memory_space<vmem_shared>> -> memref<10240xf32, #tpu.memory_space<vmem_shared>>
          tpu.wait_indirect_dma semaphore(%run_scoped3A_748 : memref<!tpu.dma_semaphore, #tpu.memory_space<semaphore_mem>>) src(%dma_wait3A_757 : memref<128xf32, #tpu.memory_space<vmem>>) dst(%dma_wait3A_762 : memref<10240xf32, #tpu.memory_space<vmem_shared>>)
          tpu.yield
        }) : () -> ()
        %add3A_631 = arith.constant 384 : i32
        %add3A_632 = arith.addi %min3A_26, %add3A_631 : i32
        %add3A_633 = arith.constant 0 : i32
        %add3A_634 = arith.addi %add3A_632, %add3A_633 : i32
        %get3A_635 = arith.constant 0 : i32
        %get3A_636 = arith.index_cast %get3A_635 : i32 to index
        %get3A_637 = arith.index_cast %add3A_634 : i32 to index
        %get3A_638 = tpu.vector_load %arg5[%get3A_636, %get3A_637] {strides = array<i32>} : memref<2x10496xi32, #tpu.memory_space<vmem>>, vector<16xi32>,
        %eq3A_639 = arith.cmpi eq, %get3A_638, %get3A_3 : vector<16xi32>
        %select_n3A_640 = arith.select %eq3A_639, %broadcast_in_dim3A_6, %broadcast_in_dim3A_4 : vector<16xi1>, vector<16xf32>
        %swap3A_641 = arith.constant 3 : i32
        %swap3A_642 = arith.index_cast %swap3A_641 : i32 to index
        %swap3A_643 = arith.constant 0 : index
        %swap3A_644 = tpu.vector_load %arg6[%swap3A_642, %swap3A_643] {strides = array<i32>} : memref<4x128xf32, #tpu.memory_space<vmem>>, vector<16xf32>,
        tpu.vector_store %arg6[%swap3A_642, %swap3A_643], %select_n3A_640 {strides = array<i32>} : memref<4x128xf32, #tpu.memory_space<vmem>>, vector<16xf32>,
        %add3A_645 = arith.constant 384 : i32
        %add3A_646 = arith.addi %min3A_26, %add3A_645 : i32
        %add3A_647 = arith.constant 16 : i32
        %add3A_648 = arith.addi %add3A_646, %add3A_647 : i32
        %get3A_649 = arith.constant 0 : i32
        %get3A_650 = arith.index_cast %get3A_649 : i32 to index
        %get3A_651 = arith.index_cast %add3A_648 : i32 to index
        %get3A_652 = tpu.vector_load %arg5[%get3A_650, %get3A_651] {strides = array<i32>} : memref<2x10496xi32, #tpu.memory_space<vmem>>, vector<16xi32>,
        %eq3A_653 = arith.cmpi eq, %get3A_652, %get3A_3 : vector<16xi32>
        %select_n3A_654 = arith.select %eq3A_653, %broadcast_in_dim3A_6, %broadcast_in_dim3A_4 : vector<16xi1>, vector<16xf32>
        %swap3A_655 = arith.constant 3 : i32
        %swap3A_656 = arith.index_cast %swap3A_655 : i32 to index
        %swap3A_657 = arith.constant 16 : index
        %swap3A_658 = tpu.vector_load %arg6[%swap3A_656, %swap3A_657] {strides = array<i32>} : memref<4x128xf32, #tpu.memory_space<vmem>>, vector<16xf32>,
        tpu.vector_store %arg6[%swap3A_656, %swap3A_657], %select_n3A_654 {strides = array<i32>} : memref<4x128xf32, #tpu.memory_space<vmem>>, vector<16xf32>,
        %add3A_659 = arith.constant 384 : i32
        %add3A_660 = arith.addi %min3A_26, %add3A_659 : i32
        %add3A_661 = arith.constant 32 : i32
        %add3A_662 = arith.addi %add3A_660, %add3A_661 : i32
        %get3A_663 = arith.constant 0 : i32
        %get3A_664 = arith.index_cast %get3A_663 : i32 to index
        %get3A_665 = arith.index_cast %add3A_662 : i32 to index
        %get3A_666 = tpu.vector_load %arg5[%get3A_664, %get3A_665] {strides = array<i32>} : memref<2x10496xi32, #tpu.memory_space<vmem>>, vector<16xi32>,
        %eq3A_667 = arith.cmpi eq, %get3A_666, %get3A_3 : vector<16xi32>
        %select_n3A_668 = arith.select %eq3A_667, %broadcast_in_dim3A_6, %broadcast_in_dim3A_4 : vector<16xi1>, vector<16xf32>
        %swap3A_669 = arith.constant 3 : i32
        %swap3A_670 = arith.index_cast %swap3A_669 : i32 to index
        %swap3A_671 = arith.constant 32 : index
        %swap3A_672 = tpu.vector_load %arg6[%swap3A_670, %swap3A_671] {strides = array<i32>} : memref<4x128xf32, #tpu.memory_space<vmem>>, vector<16xf32>,
        tpu.vector_store %arg6[%swap3A_670, %swap3A_671], %select_n3A_668 {strides = array<i32>} : memref<4x128xf32, #tpu.memory_space<vmem>>, vector<16xf32>,
        %add3A_673 = arith.constant 384 : i32
        %add3A_674 = arith.addi %min3A_26, %add3A_673 : i32
        %add3A_675 = arith.constant 48 : i32
        %add3A_676 = arith.addi %add3A_674, %add3A_675 : i32
        %get3A_677 = arith.constant 0 : i32
        %get3A_678 = arith.index_cast %get3A_677 : i32 to index
        %get3A_679 = arith.index_cast %add3A_676 : i32 to index
        %get3A_680 = tpu.vector_load %arg5[%get3A_678, %get3A_679] {strides = array<i32>} : memref<2x10496xi32, #tpu.memory_space<vmem>>, vector<16xi32>,
        %eq3A_681 = arith.cmpi eq, %get3A_680, %get3A_3 : vector<16xi32>
        %select_n3A_682 = arith.select %eq3A_681, %broadcast_in_dim3A_6, %broadcast_in_dim3A_4 : vector<16xi1>, vector<16xf32>
        %swap3A_683 = arith.constant 3 : i32
        %swap3A_684 = arith.index_cast %swap3A_683 : i32 to index
        %swap3A_685 = arith.constant 48 : index
        %swap3A_686 = tpu.vector_load %arg6[%swap3A_684, %swap3A_685] {strides = array<i32>} : memref<4x128xf32, #tpu.memory_space<vmem>>, vector<16xf32>,
        tpu.vector_store %arg6[%swap3A_684, %swap3A_685], %select_n3A_682 {strides = array<i32>} : memref<4x128xf32, #tpu.memory_space<vmem>>, vector<16xf32>,
        %add3A_687 = arith.constant 384 : i32
        %add3A_688 = arith.addi %min3A_26, %add3A_687 : i32
        %add3A_689 = arith.constant 64 : i32
        %add3A_690 = arith.addi %add3A_688, %add3A_689 : i32
        %get3A_691 = arith.constant 0 : i32
        %get3A_692 = arith.index_cast %get3A_691 : i32 to index
        %get3A_693 = arith.index_cast %add3A_690 : i32 to index
        %get3A_694 = tpu.vector_load %arg5[%get3A_692, %get3A_693] {strides = array<i32>} : memref<2x10496xi32, #tpu.memory_space<vmem>>, vector<16xi32>,
        %eq3A_695 = arith.cmpi eq, %get3A_694, %get3A_3 : vector<16xi32>
        %select_n3A_696 = arith.select %eq3A_695, %broadcast_in_dim3A_6, %broadcast_in_dim3A_4 : vector<16xi1>, vector<16xf32>
        %swap3A_697 = arith.constant 3 : i32
        %swap3A_698 = arith.index_cast %swap3A_697 : i32 to index
        %swap3A_699 = arith.constant 64 : index
        %swap3A_700 = tpu.vector_load %arg6[%swap3A_698, %swap3A_699] {strides = array<i32>} : memref<4x128xf32, #tpu.memory_space<vmem>>, vector<16xf32>,
        tpu.vector_store %arg6[%swap3A_698, %swap3A_699], %select_n3A_696 {strides = array<i32>} : memref<4x128xf32, #tpu.memory_space<vmem>>, vector<16xf32>,
        %add3A_701 = arith.constant 384 : i32
        %add3A_702 = arith.addi %min3A_26, %add3A_701 : i32
        %add3A_703 = arith.constant 80 : i32
        %add3A_704 = arith.addi %add3A_702, %add3A_703 : i32
        %get3A_705 = arith.constant 0 : i32
        %get3A_706 = arith.index_cast %get3A_705 : i32 to index
        %get3A_707 = arith.index_cast %add3A_704 : i32 to index
        %get3A_708 = tpu.vector_load %arg5[%get3A_706, %get3A_707] {strides = array<i32>} : memref<2x10496xi32, #tpu.memory_space<vmem>>, vector<16xi32>,
        %eq3A_709 = arith.cmpi eq, %get3A_708, %get3A_3 : vector<16xi32>
        %select_n3A_710 = arith.select %eq3A_709, %broadcast_in_dim3A_6, %broadcast_in_dim3A_4 : vector<16xi1>, vector<16xf32>
        %swap3A_711 = arith.constant 3 : i32
        %swap3A_712 = arith.index_cast %swap3A_711 : i32 to index
        %swap3A_713 = arith.constant 80 : index
        %swap3A_714 = tpu.vector_load %arg6[%swap3A_712, %swap3A_713] {strides = array<i32>} : memref<4x128xf32, #tpu.memory_space<vmem>>, vector<16xf32>,
        tpu.vector_store %arg6[%swap3A_712, %swap3A_713], %select_n3A_710 {strides = array<i32>} : memref<4x128xf32, #tpu.memory_space<vmem>>, vector<16xf32>,
        %add3A_715 = arith.constant 384 : i32
        %add3A_716 = arith.addi %min3A_26, %add3A_715 : i32
        %add3A_717 = arith.constant 96 : i32
        %add3A_718 = arith.addi %add3A_716, %add3A_717 : i32
        %get3A_719 = arith.constant 0 : i32
        %get3A_720 = arith.index_cast %get3A_719 : i32 to index
        %get3A_721 = arith.index_cast %add3A_718 : i32 to index
        %get3A_722 = tpu.vector_load %arg5[%get3A_720, %get3A_721] {strides = array<i32>} : memref<2x10496xi32, #tpu.memory_space<vmem>>, vector<16xi32>,
        %eq3A_723 = arith.cmpi eq, %get3A_722, %get3A_3 : vector<16xi32>
        %select_n3A_724 = arith.select %eq3A_723, %broadcast_in_dim3A_6, %broadcast_in_dim3A_4 : vector<16xi1>, vector<16xf32>
        %swap3A_725 = arith.constant 3 : i32
        %swap3A_726 = arith.index_cast %swap3A_725 : i32 to index
        %swap3A_727 = arith.constant 96 : index
        %swap3A_728 = tpu.vector_load %arg6[%swap3A_726, %swap3A_727] {strides = array<i32>} : memref<4x128xf32, #tpu.memory_space<vmem>>, vector<16xf32>,
        tpu.vector_store %arg6[%swap3A_726, %swap3A_727], %select_n3A_724 {strides = array<i32>} : memref<4x128xf32, #tpu.memory_space<vmem>>, vector<16xf32>,
        %add3A_729 = arith.constant 384 : i32
        %add3A_730 = arith.addi %min3A_26, %add3A_729 : i32
        %add3A_731 = arith.constant 112 : i32
        %add3A_732 = arith.addi %add3A_730, %add3A_731 : i32
        %get3A_733 = arith.constant 0 : i32
        %get3A_734 = arith.index_cast %get3A_733 : i32 to index
        %get3A_735 = arith.index_cast %add3A_732 : i32 to index
        %get3A_736 = tpu.vector_load %arg5[%get3A_734, %get3A_735] {strides = array<i32>} : memref<2x10496xi32, #tpu.memory_space<vmem>>, vector<16xi32>,
        %eq3A_737 = arith.cmpi eq, %get3A_736, %get3A_3 : vector<16xi32>
        %select_n3A_738 = arith.select %eq3A_737, %broadcast_in_dim3A_6, %broadcast_in_dim3A_4 : vector<16xi1>, vector<16xf32>
        %swap3A_739 = arith.constant 3 : i32
        %swap3A_740 = arith.index_cast %swap3A_739 : i32 to index
        %swap3A_741 = arith.constant 112 : index
        %swap3A_742 = tpu.vector_load %arg6[%swap3A_740, %swap3A_741] {strides = array<i32>} : memref<4x128xf32, #tpu.memory_space<vmem>>, vector<16xf32>,
        tpu.vector_store %arg6[%swap3A_740, %swap3A_741], %select_n3A_738 {strides = array<i32>} : memref<4x128xf32, #tpu.memory_space<vmem>>, vector<16xf32>,
        %add3A_743 = arith.addi %mul3A_2, %min3A_26 : i32
        %add3A_744 = arith.constant 384 : i32
        %add3A_745 = arith.addi %add3A_743, %add3A_744 : i32
        "tpu.region"() ({
          %run_scoped3A_748 = tpu.sem_alloc : memref<!tpu.dma_semaphore, #tpu.memory_space<semaphore_mem>>
          %dma_start3A = arith.constant 0 : i32
          %dma_start3A_749 = tpu.memref_slice %arg2[%dma_start3A, %add3A_745] : memref<2x320000xi32, #tpu.memory_space<hbm>> -> memref<2x128xi32, #tpu.memory_space<hbm>>
          %dma_start3A_750 = arith.constant 0 : i32
          %dma_start3A_751 = tpu.memref_slice %arg2[%dma_start3A_750, %add3A_745] : memref<2x320000xi32, #tpu.memory_space<hbm>> -> memref<2x128xi32, #tpu.memory_space<hbm>>
          tpu.enqueue_dma source(%dma_start3A_751 : memref<2x128xi32, #tpu.memory_space<hbm>>) target(%arg7 : memref<2x128xi32, #tpu.memory_space<vmem>>) target_semaphore(%run_scoped3A_748 : memref<!tpu.dma_semaphore, #tpu.memory_space<semaphore_mem>>)
          %dma_wait3A = arith.constant 0 : i32
          %dma_wait3A_752 = tpu.memref_slice %arg2[%dma_wait3A, %add3A_745] : memref<2x320000xi32, #tpu.memory_space<hbm>> -> memref<2x128xi32, #tpu.memory_space<hbm>>
          %dma_wait3A_753 = arith.constant 0 : i32
          %dma_wait3A_754 = tpu.memref_slice %arg2[%dma_wait3A_753, %add3A_745] : memref<2x320000xi32, #tpu.memory_space<hbm>> -> memref<2x128xi32, #tpu.memory_space<hbm>>
          tpu.wait_dma2 semaphore(%run_scoped3A_748 : memref<!tpu.dma_semaphore, #tpu.memory_space<semaphore_mem>>) src(%dma_wait3A_754 : memref<2x128xi32, #tpu.memory_space<hbm>>) dst(%arg7 : memref<2x128xi32, #tpu.memory_space<vmem>>)
          tpu.yield
        }) : () -> ()
        %run_scoped3A_746 = arith.constant 3 : i32
        %run_scoped3A_747 = arith.constant 1 : i32
        "tpu.region"() ({
          %run_scoped3A_748 = tpu.sem_alloc : memref<!tpu.dma_semaphore, #tpu.memory_space<semaphore_mem>>
          %dma_start3A = arith.constant 0 : i32
          %dma_start3A_749 = tpu.memref_slice %arg6[%run_scoped3A_746, %dma_start3A] : memref<4x128xf32, #tpu.memory_space<vmem>> -> memref<1x128xf32, #tpu.memory_space<vmem>>
          %dma_start3A_750 = tpu.memref_squeeze %dma_start3A_749 : memref<1x128xf32, #tpu.memory_space<vmem>> -> memref<128xf32, #tpu.memory_space<vmem>>
          %dma_start3A_751 = arith.constant 0 : i32
          %dma_start3A_752 = tpu.memref_slice %arg7[%run_scoped3A_747, %dma_start3A_751] : memref<2x128xi32, #tpu.memory_space<vmem>> -> memref<1x128xi32, #tpu.memory_space<vmem>>
          %dma_start3A_753 = tpu.memref_squeeze %dma_start3A_752 : memref<1x128xi32, #tpu.memory_space<vmem>> -> memref<128xi32, #tpu.memory_space<vmem>>
          %dma_start3A_754 = arith.constant 0 : i32
          %dma_start3A_755 = tpu.memref_slice %arg10[%dma_start3A_754] : memref<10240xf32, #tpu.memory_space<vmem_shared>> -> memref<10240xf32, #tpu.memory_space<vmem_shared>>
          tpu.enqueue_indirect_dma source(%dma_start3A_750 : memref<128xf32, #tpu.memory_space<vmem>>) target(%dma_start3A_755 : memref<10240xf32, #tpu.memory_space<vmem_shared>>) offsets(%dma_start3A_753 : memref<128xi32, #tpu.memory_space<vmem>>) semaphore(%run_scoped3A_748 : memref<!tpu.dma_semaphore, #tpu.memory_space<semaphore_mem>>) {add = true}
          %dma_wait3A = arith.constant 0 : i32
          %dma_wait3A_756 = tpu.memref_slice %arg6[%run_scoped3A_746, %dma_wait3A] : memref<4x128xf32, #tpu.memory_space<vmem>> -> memref<1x128xf32, #tpu.memory_space<vmem>>
          %dma_wait3A_757 = tpu.memref_squeeze %dma_wait3A_756 : memref<1x128xf32, #tpu.memory_space<vmem>> -> memref<128xf32, #tpu.memory_space<vmem>>
          %dma_wait3A_758 = arith.constant 0 : i32
          %dma_wait3A_759 = tpu.memref_slice %arg7[%run_scoped3A_747, %dma_wait3A_758] : memref<2x128xi32, #tpu.memory_space<vmem>> -> memref<1x128xi32, #tpu.memory_space<vmem>>
          %dma_wait3A_760 = tpu.memref_squeeze %dma_wait3A_759 : memref<1x128xi32, #tpu.memory_space<vmem>> -> memref<128xi32, #tpu.memory_space<vmem>>
          %dma_wait3A_761 = arith.constant 0 : i32
          %dma_wait3A_762 = tpu.memref_slice %arg10[%dma_wait3A_761] : memref<10240xf32, #tpu.memory_space<vmem_shared>> -> memref<10240xf32, #tpu.memory_space<vmem_shared>>
          tpu.wait_indirect_dma semaphore(%run_scoped3A_748 : memref<!tpu.dma_semaphore, #tpu.memory_space<semaphore_mem>>) src(%dma_wait3A_757 : memref<128xf32, #tpu.memory_space<vmem>>) dst(%dma_wait3A_762 : memref<10240xf32, #tpu.memory_space<vmem_shared>>)
          tpu.yield
        }) : () -> ()
      } else {
      }
    }
    %scan3A_19 = arith.constant 21 : i32
    %barrier3A_20 = arith.constant 0 : index
    tpu.barrier barrier_id(%barrier3A_20)
    %eq3A = arith.constant 0 : i32
    %eq3A_21 = arith.cmpi eq, %arg1, %eq3A : i32
    %convert_element_type3A = arith.extui %eq3A_21 : i1 to i32
    %cond3A = arith.constant 0 : i32
    %cond3A_22 = arith.cmpi ne, %convert_element_type3A, %cond3A : i32
    scf.if %cond3A_22 {
      "tpu.region"() ({
        %run_scoped3A = tpu.sem_alloc : memref<!tpu.dma_semaphore, #tpu.memory_space<semaphore_mem>>
        %dma_start3A = arith.constant 0 : i32
        %dma_start3A_23 = tpu.memref_slice %arg4[%arg0, %dma_start3A] : memref<2x10240xf32, #tpu.memory_space<hbm>> -> memref<1x10240xf32, #tpu.memory_space<hbm>>
        %dma_start3A_24 = tpu.memref_squeeze %dma_start3A_23 : memref<1x10240xf32, #tpu.memory_space<hbm>> -> memref<10240xf32, #tpu.memory_space<hbm>>
        tpu.enqueue_dma source(%arg10 : memref<10240xf32, #tpu.memory_space<vmem_shared>>) target(%dma_start3A_24 : memref<10240xf32, #tpu.memory_space<hbm>>) target_semaphore(%run_scoped3A : memref<!tpu.dma_semaphore, #tpu.memory_space<semaphore_mem>>)
        %dma_wait3A = arith.constant 0 : i32
        %dma_wait3A_25 = tpu.memref_slice %arg4[%arg0, %dma_wait3A] : memref<2x10240xf32, #tpu.memory_space<hbm>> -> memref<1x10240xf32, #tpu.memory_space<hbm>>
        %dma_wait3A_26 = tpu.memref_squeeze %dma_wait3A_25 : memref<1x10240xf32, #tpu.memory_space<hbm>> -> memref<10240xf32, #tpu.memory_space<hbm>>
        tpu.wait_dma2 semaphore(%run_scoped3A : memref<!tpu.dma_semaphore, #tpu.memory_space<semaphore_mem>>) src(%arg10 : memref<10240xf32, #tpu.memory_space<vmem_shared>>) dst(%dma_wait3A_26 : memref<10240xf32, #tpu.memory_space<hbm>>)
        tpu.yield
      }) : () -> ()
    } else {
    }
    return
  }
}

module attributes {stable_mosaic.version = 14 : i64} {
  func.func @_scores_body(%arg0: memref<10000x128xf32, #tpu.memory_space<vmem>>, %arg1: memref<128x256xf32, #tpu.memory_space<vmem>>, %arg2: memref<256x1xf32, #tpu.memory_space<vmem>>, %arg3: memref<1x256xf32, #tpu.memory_space<vmem>>, %arg4: memref<1x1xf32, #tpu.memory_space<vmem>>, %arg5: memref<1x10240xf32, #tpu.memory_space<vmem>>) attributes {dimension_semantics = [], scalar_prefetch = 0 : i64, scratch_operands = 0 : i64, tpu.core_type = #tpu.core_type<tc>} {
    %scan3A = arith.constant 0 : i32
    %scan3A_0 = arith.constant 9 : i32
    %scan3A_1 = arith.addi %scan3A, %scan3A_0 : i32
    %scan3A_2 = arith.constant 1 : i32
    scf.for %scan3A_33 = %scan3A to %scan3A_1 step %scan3A_2  : i32 {
      %mul3A_34 = arith.constant 1024 : i32
      %mul3A_35 = arith.muli %scan3A_33, %mul3A_34 : i32
      %get3A_36 = arith.index_cast %mul3A_35 : i32 to index
      %get3A_37 = arith.constant 0 : index
      %get3A_38 = vector.load %arg0[%get3A_36, %get3A_37] : memref<10000x128xf32, #tpu.memory_space<vmem>>, vector<1024x128xf32>
      %get3A_39 = arith.constant 0 : index
      %get3A_40 = arith.constant 0 : index
      %get3A_41 = vector.load %arg1[%get3A_39, %get3A_40] : memref<128x256xf32, #tpu.memory_space<vmem>>, vector<128x256xf32>
      %dot_general3A_42 = arith.constant dense<0.000000e+00> : vector<256x1024xf32>
      %dot_general3A_43 = tpu.matmul %get3A_41, %get3A_38, %dot_general3A_42 {dimension_numbers = #tpu.dot_dimension_numbers<[0], [1], [1], [0], [0, 1, 1, 0], [], []>, transpose_lhs_hint = false} : vector<128x256xf32>, vector<1024x128xf32>, vector<256x1024xf32> -> vector<256x1024xf32>
      %get3A_44 = arith.constant 0 : index
      %get3A_45 = arith.constant 0 : index
      %get3A_46 = vector.load %arg2[%get3A_44, %get3A_45] : memref<256x1xf32, #tpu.memory_space<vmem>>, vector<256x1xf32>
      %add3A_47 = vector.broadcast %get3A_46 : vector<256x1xf32> to vector<256x1024xf32>
      %add3A_48 = arith.addf %dot_general3A_43, %add3A_47 : vector<256x1024xf32>
      %gt3A_49 = arith.constant 0.000000e+00 : f32
      %gt3A_50 = vector.broadcast %gt3A_49 : f32 to vector<256x1024xf32>
      %gt3A_51 = arith.cmpf ogt, %add3A_48, %gt3A_50 : vector<256x1024xf32>
      %mul3A_52 = arith.constant 1.000000e-01 : f32
      %mul3A_53 = vector.broadcast %mul3A_52 : f32 to vector<256x1024xf32>
      %mul3A_54 = arith.mulf %mul3A_53, %add3A_48 : vector<256x1024xf32>
      %select_n3A_55 = arith.select %gt3A_51, %add3A_48, %mul3A_54 : vector<256x1024xi1>, vector<256x1024xf32>
      %get3A_56 = arith.constant 0 : index
      %get3A_57 = arith.constant 0 : index
      %get3A_58 = vector.load %arg3[%get3A_56, %get3A_57] : memref<1x256xf32, #tpu.memory_space<vmem>>, vector<1x256xf32>
      %dot_general3A_59 = arith.constant dense<0.000000e+00> : vector<1x1024xf32>
      %dot_general3A_60 = tpu.matmul %get3A_58, %select_n3A_55, %dot_general3A_59 {dimension_numbers = #tpu.dot_dimension_numbers<[1], [0], [0], [1], [0, 0, 1, 1], [], []>, transpose_lhs_hint = false} : vector<1x256xf32>, vector<256x1024xf32>, vector<1x1024xf32> -> vector<1x1024xf32>
      %squeeze3A_61 = vector.shape_cast %dot_general3A_60 : vector<1x1024xf32> to vector<1024xf32>
      %get3A_62 = arith.constant 0 : index
      %get3A_63 = arith.constant 0 : index
      %get3A_64 = vector.load %arg4[%get3A_62, %get3A_63] : memref<1x1xf32, #tpu.memory_space<vmem>>, vector<1x1xf32>
      %get3A_65 = vector.extract %get3A_64[0, 0] : f32 from vector<1x1xf32>
      %add3A_66 = vector.broadcast %get3A_65 : f32 to vector<1024xf32>
      %add3A_67 = arith.addf %squeeze3A_61, %add3A_66 : vector<1024xf32>
      %swap3A_68 = arith.constant 0 : index
      %swap3A_69 = arith.index_cast %mul3A_35 : i32 to index
      %swap3A_70 = vector.load %arg5[%swap3A_68, %swap3A_69] : memref<1x10240xf32, #tpu.memory_space<vmem>>, vector<1x1024xf32>
      %swap3A_71 = vector.shape_cast %swap3A_70 : vector<1x1024xf32> to vector<1024xf32>
      %swap3A_72 = vector.shape_cast %add3A_67 : vector<1024xf32> to vector<1x1024xf32>
      tpu.vector_store %arg5[%swap3A_68, %swap3A_69], %swap3A_72 {strides = array<i32>} : memref<1x10240xf32, #tpu.memory_space<vmem>>, vector<1x1024xf32>,
    }
    %scan3A_3 = arith.constant 9 : i32
    %get3A = arith.constant 9216 : index
    %get3A_4 = arith.constant 0 : index
    %get3A_5 = vector.load %arg0[%get3A, %get3A_4] : memref<10000x128xf32, #tpu.memory_space<vmem>>, vector<784x128xf32>
    %get3A_6 = arith.constant 0 : index
    %get3A_7 = arith.constant 0 : index
    %get3A_8 = vector.load %arg1[%get3A_6, %get3A_7] : memref<128x256xf32, #tpu.memory_space<vmem>>, vector<128x256xf32>
    %dot_general3A = arith.constant dense<0.000000e+00> : vector<256x784xf32>
    %dot_general3A_9 = tpu.matmul %get3A_8, %get3A_5, %dot_general3A {dimension_numbers = #tpu.dot_dimension_numbers<[0], [1], [1], [0], [0, 1, 1, 0], [], []>, transpose_lhs_hint = false} : vector<128x256xf32>, vector<784x128xf32>, vector<256x784xf32> -> vector<256x784xf32>
    %get3A_10 = arith.constant 0 : index
    %get3A_11 = arith.constant 0 : index
    %get3A_12 = vector.load %arg2[%get3A_10, %get3A_11] : memref<256x1xf32, #tpu.memory_space<vmem>>, vector<256x1xf32>
    %add3A = vector.broadcast %get3A_12 : vector<256x1xf32> to vector<256x784xf32>
    %add3A_13 = arith.addf %dot_general3A_9, %add3A : vector<256x784xf32>
    %gt3A = arith.constant 0.000000e+00 : f32
    %gt3A_14 = vector.broadcast %gt3A : f32 to vector<256x784xf32>
    %gt3A_15 = arith.cmpf ogt, %add3A_13, %gt3A_14 : vector<256x784xf32>
    %mul3A = arith.constant 1.000000e-01 : f32
    %mul3A_16 = vector.broadcast %mul3A : f32 to vector<256x784xf32>
    %mul3A_17 = arith.mulf %mul3A_16, %add3A_13 : vector<256x784xf32>
    %select_n3A = arith.select %gt3A_15, %add3A_13, %mul3A_17 : vector<256x784xi1>, vector<256x784xf32>
    %get3A_18 = arith.constant 0 : index
    %get3A_19 = arith.constant 0 : index
    %get3A_20 = vector.load %arg3[%get3A_18, %get3A_19] : memref<1x256xf32, #tpu.memory_space<vmem>>, vector<1x256xf32>
    %dot_general3A_21 = arith.constant dense<0.000000e+00> : vector<1x784xf32>
    %dot_general3A_22 = tpu.matmul %get3A_20, %select_n3A, %dot_general3A_21 {dimension_numbers = #tpu.dot_dimension_numbers<[1], [0], [0], [1], [0, 0, 1, 1], [], []>, transpose_lhs_hint = false} : vector<1x256xf32>, vector<256x784xf32>, vector<1x784xf32> -> vector<1x784xf32>
    %squeeze3A = vector.shape_cast %dot_general3A_22 : vector<1x784xf32> to vector<784xf32>
    %get3A_23 = arith.constant 0 : index
    %get3A_24 = arith.constant 0 : index
    %get3A_25 = vector.load %arg4[%get3A_23, %get3A_24] : memref<1x1xf32, #tpu.memory_space<vmem>>, vector<1x1xf32>
    %get3A_26 = vector.extract %get3A_25[0, 0] : f32 from vector<1x1xf32>
    %add3A_27 = vector.broadcast %get3A_26 : f32 to vector<784xf32>
    %add3A_28 = arith.addf %squeeze3A, %add3A_27 : vector<784xf32>
    %swap3A = arith.constant 0 : index
    %swap3A_29 = arith.constant 9216 : index
    %swap3A_30 = vector.load %arg5[%swap3A, %swap3A_29] : memref<1x10240xf32, #tpu.memory_space<vmem>>, vector<1x784xf32>
    %swap3A_31 = vector.shape_cast %swap3A_30 : vector<1x784xf32> to vector<784xf32>
    %swap3A_32 = vector.shape_cast %add3A_28 : vector<784xf32> to vector<1x784xf32>
    tpu.vector_store %arg5[%swap3A, %swap3A_29], %swap3A_32 {strides = array<i32>} : memref<1x10240xf32, #tpu.memory_space<vmem>>, vector<1x784xf32>,
    return
  }
}

module attributes {stable_mosaic.version = 14 : i64} {
  func.func @_softmax_body(%arg0: memref<1x10240xf32, #tpu.memory_space<vmem>>, %arg1: memref<2x10240xf32, #tpu.memory_space<vmem>>, %arg2: memref<10000xf32, #tpu.memory_space<vmem>>) attributes {dimension_semantics = [], scalar_prefetch = 0 : i64, scratch_operands = 0 : i64, tpu.core_type = #tpu.core_type<tc>} {
    %get3A = arith.constant 0 : index
    %get3A_0 = arith.constant 0 : index
    %get3A_1 = vector.load %arg1[%get3A, %get3A_0] : memref<2x10240xf32, #tpu.memory_space<vmem>>, vector<2x10240xf32>
    %reduce_sum3A = arith.constant dense<0.000000e+00> : vector<10240xf32>
    %reduce_sum3A_2 = vector.multi_reduction <add>, %get3A_1, %reduce_sum3A [0] : vector<2x10240xf32> to vector<10240xf32>
    %broadcast_in_dim3A = vector.shape_cast %reduce_sum3A_2 : vector<10240xf32> to vector<1x10240xf32>
    %iota3A = tpu.iota {dimensions = array<i32: 1>} : vector<1x10240xi32>
    %get3A_3 = arith.constant 0 : index
    %get3A_4 = arith.constant 0 : index
    %get3A_5 = vector.load %arg0[%get3A_3, %get3A_4] : memref<1x10240xf32, #tpu.memory_space<vmem>>, vector<1x10240xf32>
    %lt3A = arith.constant 10000 : i32
    %lt3A_6 = vector.broadcast %lt3A : i32 to vector<1x10240xi32>
    %lt3A_7 = arith.cmpi slt, %iota3A, %lt3A_6 : vector<1x10240xi32>
    %gt3A = arith.constant 0.000000e+00 : f32
    %gt3A_8 = vector.broadcast %gt3A : f32 to vector<1x10240xf32>
    %gt3A_9 = arith.cmpf ogt, %broadcast_in_dim3A, %gt3A_8 : vector<1x10240xf32>
    %jit3A = arith.constant -1.000000e+09 : f32
    %broadcast_in_dim3A_10 = vector.broadcast %jit3A : f32 to vector<1x10240xf32>
    %select_n3A = arith.select %gt3A_9, %get3A_5, %broadcast_in_dim3A_10 : vector<1x10240xi1>, vector<1x10240xf32>
    %jit3A_11 = arith.constant 0xFF800000 : f32
    %broadcast_in_dim3A_12 = vector.broadcast %jit3A_11 : f32 to vector<1x10240xf32>
    %select_n3A_13 = arith.select %lt3A_7, %select_n3A, %broadcast_in_dim3A_12 : vector<1x10240xi1>, vector<1x10240xf32>
    %reduce_max3A = vector.shape_cast %select_n3A_13 : vector<1x10240xf32> to vector<1x1x10240xf32>
    %reduce_max3A_14 = arith.constant dense<0xFF800000> : vector<1xf32>
    %reduce_max3A_15 = vector.multi_reduction <maximumf>, %reduce_max3A, %reduce_max3A_14 [1, 2] : vector<1x1x10240xf32> to vector<1xf32>
    %reduce_max3A_16 = vector.shape_cast %reduce_max3A_15 : vector<1xf32> to vector<1x1x1xf32>
    %reduce_max3A_17 = vector.extract %reduce_max3A_16[0, 0, 0] : f32 from vector<1x1x1xf32>
    %sub3A = vector.broadcast %reduce_max3A_17 : f32 to vector<1x10240xf32>
    %sub3A_18 = arith.subf %select_n3A_13, %sub3A : vector<1x10240xf32>
    %exp3A = math.exp %sub3A_18 : vector<1x10240xf32>
    %reduce_sum3A_19 = vector.shape_cast %exp3A : vector<1x10240xf32> to vector<1x1x10240xf32>
    %reduce_sum3A_20 = arith.constant dense<0.000000e+00> : vector<1xf32>
    %reduce_sum3A_21 = vector.multi_reduction <add>, %reduce_sum3A_19, %reduce_sum3A_20 [1, 2] : vector<1x1x10240xf32> to vector<1xf32>
    %reduce_sum3A_22 = vector.shape_cast %reduce_sum3A_21 : vector<1xf32> to vector<1x1x1xf32>
    %reduce_sum3A_23 = vector.extract %reduce_sum3A_22[0, 0, 0] : f32 from vector<1x1x1xf32>
    %div3A = vector.broadcast %reduce_sum3A_23 : f32 to vector<1x10240xf32>
    %div3A_24 = arith.divf %exp3A, %div3A : vector<1x10240xf32>
    %slice3A = vector.extract_strided_slice %div3A_24 {offsets = [0, 0], sizes = [1, 10000], strides = [1, 1]} : vector<1x10240xf32> to vector<1x10000xf32>
    %squeeze3A = vector.shape_cast %slice3A : vector<1x10000xf32> to vector<10000xf32>
    %swap3A = arith.constant 0 : index
    %swap3A_25 = vector.load %arg2[%swap3A] : memref<10000xf32, #tpu.memory_space<vmem>>, vector<10000xf32>
    tpu.vector_store %arg2[%swap3A], %squeeze3A {strides = array<i32>} : memref<10000xf32, #tpu.memory_space<vmem>>, vector<10000xf32>,
    return
  }
}

</mosaic_0001>

<sc_bundles>
// kernel: kernel.5.cloned.1.call-start
scs
__scs_entry_jumppad:
0x0: {  	(pc) =	sbr.rel $0x88, $3  }
0x1: {  	(tag) =	ssettag $0x0;
	lr =	simm.s32 $0x1  }
0x2: {  	[smem:$0x3F9A] =	sst lr;
	_ =	strace $0xD0000000  }
0x3: {  	_ = 	snop  }
0x4: {  	_ = 	snop  }
0x5: {  	_ = 	snop  }
0x6: {  	_ = 	snop  }
0x7: {  	_ = 	snop  }
__scs_overlays_trampoline_lowered:
0x8: {  	[smem:$0x3FA9] =	sst s0  }
0x9: {  	[smem:$0x3FAA] =	sst s1  }
0xa: {  	[smem:$0x3FAB] =	sst s2  }
0xb: {  	[smem:$0x3FAC] =	sst s3  }
0xc: {  	[smem:$0x3FAD] =	sst s4  }
0xd: {  	[smem:$0x3FAE] =	sst s5  }
0xe: {  	[smem:$0x3FAF] =	sst s6  }
0xf: {  	[smem:$0x3FB0] =	sst s7  }
0x10: {  	[smem:$0x3FB1] =	sst s8  }
0x11: {  	[smem:$0x3FB2] =	sst s9;
	s0 =	simm.s32 @!p0 $0x0  }
0x12: {  	s1 =	sld [smem:$0x3F98];
	s0 =	simm.s32 @p0 $0x1  }
0x13: {  	[smem:$0x3FB3] =	sst s0;
	s0 =	simm.s32 @!p1 $0x0  }
0x14: {  	s2 =	sld [smem:$0x3F97];
	s0 =	simm.s32 @p1 $0x1  }
0x15: {  	[smem:$0x3FB4] =	sst s0;
	s0 =	simm.s32 @!p2 $0x0  }
0x16: {  	s3 =	sld [smem:$0x3FDB];
	s0 =	simm.s32 @p2 $0x1  }
0x17: {  	s4 =	simm.s32 $0x1BF5;
	[smem:$0x3FB6] =	sst s0  }
0x18: {  	s0 =	sld [smem:$0x3F99];
	_ =	swait.ge [sflag:s4], $0x0  }
0x19: {  	s7 =	sld [smem:$0x3F9A]  }
0x1a: {  	s8 =	sadd.s32 $0xFFFFE003, lr  }
0x1b: {  	s9 =	sadd.s32 $0xFFFFFEF7, lr;
	s5 =	simm.s32 $0xFFFFFFFF;
	p2 =	slt.u32 s8, $0xFFFFF086  }
0x1c: {  	p1 =	slt.u32 s9, $0xF7A;
	s5 =	simm.s32 @!p2 $0x0  }
0x1d: {  	s5 =	simm.s32 @p1 $0x1;
	p0 =	seq.s32 s7, s2  }
0x1e: {  	s7 =	smul.u32 @!p0 $0xF7A, s2;
	p2 =	seq.s32 @!p0 s5, $0x0  }
0x1f: {  	s9 =	smul.u32 $0xF7A, s1;
	s8 =	simm.s32 @!p0 $0x1BF5;
	p2 =	por !p2, p0  }
0x20: {  	[sflag:s8] =	ssyncset.s32 @!p0 $0xFFFFF086;
	s6 =	sadd.s32 @!p0 s3, s7;
	s7 =	simm.s32 @!p0 $0x108  }
0x21: {  	s3 =	sadd.s32 s3, s9;
	s6 =	sadd.s32 @!p0 $0x88, s6;
	s7 =	simm.s32 @p2 $0x1082  }
0x22: {  	[simem:s7], [sflag:s8] =	dma.local @!p0 [hbm:s6], $0xF7A  }
0x23: {  	s9 =	sor.u32 $0xD0000000, s2;
	s6 =	simm.s32 $0x108;
	_ =	swait.ge @!p0 [sflag:s8], $0x0  }
0x24: {  	s3 =	sadd.s32 $0x88, s3;
	s6 =	simm.s32 @!p1 $0x1082;
	[sflag:s4] =	ssyncset.s32 $0xFFFFF086  }
0x25: {  	[simem:s6], [sflag:s4] =	dma.local [hbm:s3], $0xF7A  }
0x26: {  	[smem:$0x3F9A] =	sst s1;
	(tag) =	ssettag s2;
	_ =	strace s9  }
0x27: {  	s1 =	sld [smem:$0x3FAA]  }
0x28: {  	s2 =	sld [smem:$0x3FAB]  }
0x29: {  	s4 =	sld [smem:$0x3FAD]  }
0x2a: {  	p0 =	seq.s32 s5, $0x0;
	s5 =	sld [smem:$0x3FAE]  }
0x2b: {  	s6 =	sld [smem:$0x3FAF]  }
0x2c: {  	s7 =	sld [smem:$0x3FB0]  }
0x2d: {  	s3 =	simm.s32 $0x108;
	s8 =	sld [smem:$0x3FB1]  }
0x2e: {  	s3 =	simm.s32 @!p0 $0x1082;
	s9 =	sld [smem:$0x3FB2]  }
0x2f: {  	lr =	sadd.s32 s0, s3;
	s0 =	sld [smem:$0x3FA9]  }
0x30: {  	s3 =	sld [smem:$0x3FAC]  }
0x31: {  	[smem:$0x3FB5] =	sst s10  }
0x32: {  	s10 =	sld [smem:$0x3FB3];
	_ =	sdelay $0x3  }
0x33: {  	p0 =	seq.s32 s10, $0x1;
	s10 =	sld [smem:$0x3FB5];
	_ =	sdelay $0x3  }
0x34: {  	[smem:$0x3FB5] =	sst s10  }
0x35: {  	s10 =	sld [smem:$0x3FB4];
	_ =	sdelay $0x3  }
0x36: {  	p1 =	seq.s32 s10, $0x1;
	s10 =	sld [smem:$0x3FB5];
	_ =	sdelay $0x3  }
0x37: {  	[smem:$0x3FB5] =	sst s10  }
0x38: {  	s10 =	sld [smem:$0x3FB6]  }
0x39: {  	_ = 	snop;
	(pc) =	sbr.ind lr, $3  }
0x3a: {  	_ = 	snop  }
0x3b: {  	_ = 	snop  }
0x3c: {  	p2 =	seq.s32 s10, $0x1;
	s10 =	sld [smem:$0x3FB5]  }
0x3d: {  	_ =	shalt  }
0x3e: {  	_ =	shalt  }
0x3f: {  	_ =	shalt  }
0x40: {  	_ =	shalt  }
0x41: {  	_ =	shalt  }
0x42: {  	_ =	shalt  }
0x43: {  	_ =	shalt  }
0x44: {  	_ =	shalt  }
0x45: {  	_ =	shalt  }
0x46: {  	_ =	shalt  }
0x47: {  	_ =	shalt  }
0x48: {  	_ =	shalt  }
0x49: {  	_ =	shalt  }
0x4a: {  	_ =	shalt  }
0x4b: {  	_ =	shalt  }
0x4c: {  	_ =	shalt  }
0x4d: {  	_ =	shalt  }
0x4e: {  	_ =	shalt  }
0x4f: {  	_ =	shalt  }
0x50: {  	_ =	shalt  }
0x51: {  	_ =	shalt  }
0x52: {  	_ =	shalt  }
0x53: {  	_ =	shalt  }
0x54: {  	_ =	shalt  }
0x55: {  	_ =	shalt  }
0x56: {  	_ =	shalt  }
0x57: {  	_ =	shalt  }
0x58: {  	_ =	shalt  }
0x59: {  	_ =	shalt  }
0x5a: {  	_ =	shalt  }
0x5b: {  	_ =	shalt  }
0x5c: {  	_ =	shalt  }
0x5d: {  	_ =	shalt  }
0x5e: {  	_ =	shalt  }
0x5f: {  	_ =	shalt  }
0x60: {  	_ =	shalt  }
0x61: {  	_ =	shalt  }
0x62: {  	_ =	shalt  }
0x63: {  	_ =	shalt  }
0x64: {  	_ =	shalt  }
0x65: {  	_ =	shalt  }
0x66: {  	_ =	shalt  }
0x67: {  	_ =	shalt  }
0x68: {  	_ =	shalt  }
0x69: {  	_ =	shalt  }
0x6a: {  	_ =	shalt  }
0x6b: {  	_ =	shalt  }
0x6c: {  	_ =	shalt  }
0x6d: {  	_ =	shalt  }
0x6e: {  	_ =	shalt  }
0x6f: {  	_ =	shalt  }
0x70: {  	_ =	shalt  }
0x71: {  	_ =	shalt  }
0x72: {  	_ =	shalt  }
0x73: {  	_ =	shalt  }
0x74: {  	_ =	shalt  }
0x75: {  	_ =	shalt  }
0x76: {  	_ =	shalt  }
0x77: {  	_ =	shalt  }
0x78: {  	_ =	shalt  }
0x79: {  	_ =	shalt  }
0x7a: {  	_ =	shalt  }
0x7b: {  	_ =	shalt  }
0x7c: {  	_ =	shalt  }
0x7d: {  	_ =	shalt  }
0x7e: {  	_ =	shalt  }
0x7f: {  	_ =	shalt  }
0x80: {  	_ =	shalt  }
0x81: {  	_ =	shalt  }
0x82: {  	_ =	shalt  }
0x83: {  	_ =	shalt  }
0x84: {  	_ =	shalt  }
0x85: {  	_ =	shalt  }
0x86: {  	_ =	shalt  }
0x87: {  	_ =	shalt  }
.Lfunc_end0:
.L_simem_size_0:
called_computation_lowered:
.L_overlay_start_0:
0x88: {  	s2 =	sld [smem:$0x3FD9]  }
0x89: {  	s3 =	sld [smem:$0x3FFE];
	_ =	sdelay $0x1  }
0x8a: {  	s1 =	srdreg.scid  }
0x8b: {  	s0 =	sand.u32 $0x1, s1  }
0x8c: {  	s17 =	sshll.u32 s0, $0xA;
	s2 =	sadd.s32 s3, s2  }
0x8d: {  	s2 =	sadd.s32 s2, s17  }
0x8e: {  	[smem:$0x3FC1] =	sst s2  }
0x8f: {  	_ = 	snop  }
0x90: {  	s2 =	sld [smem:$0x3FC8];
	(tm) =	ssettm $0x1  }
0x91: {  	s18 =	sld [smem:$0x3FFB];
	_ =	sdelay $0x3  }
0x92: {  	_ =	strace s18  }
0x93: {  	s3 =	sld [smem:$0x3FFC];
	_ =	sdelay $0x3  }
0x94: {  	_ =	strace s3  }
0x95: {  	s3 =	sld [smem:$0x3FFD];
	_ =	sdelay $0x3  }
0x96: {  	_ =	strace s3  }
0x97: {  	_ =	strace $0x8FFFFFFF  }
0x98: {  	s19 =	sld [smem:$0x3FDB];
	_ =	sdelay $0x1  }
0x99: {  	s4 =	simm.s32 $_scs_section_size  }
0x9a: {  	s5 =	simm.s32 $_size__tile_overlayer_lowered;
	s6 =	simm.s32 $_tile_overlayer_lowered  }
0x9b: {  	s22 =	simm.s32 $0x1BFF;
	s21 =	sshll.u32 s6, $0x1;
	s3 =	sadd.s32 s4, s19  }
0x9c: {  	s7 =	simm.s32 $0x0;
	s20 =	sshll.u32 s5, $0x1;
	s5 =	sadd.s32 s21, s3  }
0x9d: {  	[timem:s7], [sflag:s22] =	dma.local [hbm:s5], s20  }
0x9e: {  	_ =	swait.ge [sflag:s22], s20  }
0x9f: {  	s4 =	ssub.s32 $0x0, s20;
	[sflag:s22] =	ssyncset.done $0x0  }
0xa0: {  	[sflag:s22] =	ssyncadd.s32 s4;
	_ =	sdelay $0x1  }
0xa1: {  	s23 =	simm.s32 $0x1B8B  }
0xa2: {  	_ =	swait.ge [sflag:s23], $0x1  }
0xa3: {  	[sflag:s23] =	ssyncset.done $0x0  }
0xa4: {  	s25 =	simm.s32 $0x1B8E;
	s24 =	sld [smem:$0x3FFE];
	[sflag:s23] =	ssyncadd.s32 $0xFFFFFFFF  }
0xa5: {  	s26 =	simm.s32 $execute0_lowered;
	[smem:$0x3FD2] =	sst s25  }
0xa6: {  	s5 =	sshll.u32 s26, $0x1;
	_ =	strace $0x80000046;
	[dreg:$0x1] =	wrdreg $0xFFFFFFFF  }
0xa7: {  	s28 =	simm.s32 $_size_execute0_lowered;
	s3 =	sadd.s32 s3, s5;
	[dreg:$0x0] =	wrdreg $0x0  }
0xa8: {  	s5 =	sshll.u32 s28, $0x1;
	[dreg:$0x2] =	wrdreg s3  }
0xa9: {  	[dreg:$0x3] =	wrdreg s5  }
0xaa: {  	[dreg:$0x4] =	wrdreg $0xC0  }
0xab: {  	_ =	task [dreg:s7], $0x5FFFF  }
0xac: {  	[dreg:$0x1] =	wrdreg $0xFFFFFFFF  }
0xad: {  	[dreg:$0x0] =	wrdreg $0x60  }
0xae: {  	[dreg:$0x2] =	wrdreg s2  }
0xaf: {  	[dreg:$0x3] =	wrdreg s24  }
0xb0: {  	[dreg:$0x4] =	wrdreg $0x58000  }
0xb1: {  	[dreg:$0x5] =	wrdreg $0x9  }
0xb2: {  	_ =	task.clear_ibuf [dreg:s7], $0x6FFFF;
	_ =	strace $0x90000046  }
0xb3: {  	s29 =	simm.s32 $0x9;
	_ =	strace $0x80000048  }
0xb4: {  	_ =	swait.ge [sflag:s29], $0x1  }
0xb5: {  	[sflag:s29] =	ssyncadd.s32 $0xFFFFFFFF  }
0xb6: {  	_ =	strace $0x90000048  }
0xb7: {  	_ =	sfence  }
0xb8: {  	s30 =	sld [smem:$0x0];
	_ =	sdelay $0x2  }
0xb9: {  	s31 =	sshll.u32 s1, $0xD;
	s1 =	sshrl.u32 s1, $0x2  }
0xba: {  	s3 =	sand.u32 $0x4000, s31;
	s1 =	sadd.s32 s1, s30  }
0xbb: {  	s0 =	sor.u32 s3, s0;
	s1 =	sshll.u32 s1, $0x11  }
0xbc: {  	s0 =	sor.u32 s1, s0  }
0xbd: {  	s0 =	sadd.s32 $0x8F2B, s0  }
0xbe: {  	[sflag:s0] =	ssyncadd.remote.s32 $0x1  }
0xbf: {  	_ =	sfence.sel $0xFFFF  }
0xc0: {  	[dreg:$0x0] =	wrdreg $0xFFFFFFFF;
	(pc) =	sbr.abs _section_cstart, $3  }
0xc1: {  	[dreg:$0x1] =	wrdreg $0xFFFFFFFF  }
0xc2: {  	_ =	task.clear_ibuf [dreg:s7], $0x2FFFF;
	_ =	strace $0x9FFFFFFF  }
0xc3: {  	(tm) =	ssettm $0x7FFFFFFF  }
tec
execute0_lowered:
.L_overlay_start_1:
0x0: {  	(tag) =	ssettag $0x1  }
0x1: {  	s1 =	rddreg [dreg:$0x0]  }
0x2: {  	s5 =	rddreg [dreg:$0x1]  }
0x3: {  	s2 =	rddreg [dreg:$0x2]  }
0x4: {  	s0 =	rddreg [dreg:$0x3]  }
0x5: {  	s4 =	srdreg.scid;
	s21 =	stileid.u32  }
0x6: {  	s3 =	simm.s32 $0x0;
	s12 =	simm.s32 $0x5780;
	s13 =	simm.s32 $0x5500  }
0x7: {  	s14 =	simm.s32 $0x5400;
	s15 =	simm.s32 $0x2;
	s16 =	simm.s32 $0x80  }
0x8: {  	s17 =	simm.s32 $0x5480;
	s18 =	simm.s32 $0x5200;
	s19 =	simm.s32 $0x5280  }
0x9: {  	s20 =	simm.s32 $0x5300;
	s23 =	simm.s32 $0x0;
	s4 =	sand.u32 $0x1, s4  }
0xa: {  	s6 =	sshll.u32 s21, $0x1;
	[smem:$0x7FF] =	sst s3;
	s11 =	smul.u32 $0xA00, s21  }
0xb: {  	p0 =	sne.s32 s21, $0x0;
	s21 =	simm.s32 $0x5380;
	s6 =	sor.u32 s4, s6  }
0xc: {  	_ =	strace $0x80000047;
	s7 =	ssub.s32 $0x2, s4;
	s9 =	sshll.u32 s4, $0x4  }
.Ltmp0:
0xd: {  	s4 =	sadd.s32 $0xE00, s5;
	s22 =	sshrl.u32 @!p0 s2, $0x3;
	(pc) =	sbr.rel .LBB2_1-.Ltmp0, $4  }
0xe: {  	s8 =	smul.u32 $0x9C0, s6;
	s10 =	sshrl.u32 s7, $0x1;
	s9 =	sadd.s32 s9, s5  }
0xf: {  	s5 =	smul.u32 $0x2700, s6;
	s31 =	sshrl.u32 s11, $0x2;
	s11 =	simm.s32 $0x1  }
0x10: {  	s10 =	ssub.s32 s7, s10;
	s7 =	sadd.s32 s31, s2;
	s9 =	sadd.s32 $0x1000, s9  }
0x11: {  	v0 =	vimm.f32 $0.0e+00;
	s6 =	sadd.s32 s1, s8;
	s8 =	sadd.s32 $0x20, s1;
	s10 =	smax.u32 s10, $0x1  }
.LBB2_5:
0x12: {  	[bflag:$0x0] =	sbarrier.arrive $0xFFFF;
	s23 =	sadd.s32 $0x1, s23  }
0x13: {  	s24 =	simm.s32 @!p0 $0x1;
	s25 =	simm.s32 @!p0 $0x20;
	p1 =	sne.s32 s23, s10  }
.Ltmp1:
0x14: {  	s26 =	simm.s32 @!p0 $0x10;
	s28 =	simm.s32 @!p0 $0x1C01;
	(pc) =	sbr.rel @!p1 .LBB2_6-.Ltmp1, $4  }
0x15: {  	[hbm:s9@s25], [sflag:s28] =	dma.strided @!p0 [spmem:s22@s26], $0x500, s24, $0x10   }
0x16: {  	_ =	swait.ge @!p0 [sflag:s24], $0x500  }
0x17: {  	[sflag:s24] =	ssyncset.done @!p0 $0x0  }
0x18: {  	[sflag:s24] =	ssyncadd.s32 @!p0 $0xFFFFFB00  }
.LBB2_1:
0x19: {  	[tilespmem:s3], [sflag:$0x1] =	stream.linear.gather [hbm4b:s6+s3], $0x5200, $0x38;
	[tilespmem:$0x5A80] =	vst v63  }
0x1a: {  	_ =	swait.ge [sflag:s11], $0x5200  }
0x1b: {  	[sflag:s11] =	ssyncset.done $0x0  }
0x1c: {  	[sflag:s11] =	ssyncadd.s32 $0xFFFFAE00  }
0x1d: {  	[tilespmem:s12], [sflag:$0x1] =	stream.linear.gather [hbm4b:s4+s3], $0x80, $0x38;
	[tilespmem:$0x5A80] =	vst v63  }
0x1e: {  	_ =	swait.ge [sflag:s11], $0x80  }
0x1f: {  	[sflag:s11] =	ssyncset.done $0x0  }
0x20: {  	[sflag:s11] =	ssyncadd.s32 $0xFFFFFF80  }
0x21: {  	[tilespmem:$0x5500] =	vst v0  }
0x22: {  	[tilespmem:$0x5510] =	vst v0  }
0x23: {  	[tilespmem:$0x5520] =	vst v0  }
0x24: {  	[tilespmem:$0x5530] =	vst v0  }
0x25: {  	[tilespmem:$0x5540] =	vst v0  }
0x26: {  	[tilespmem:$0x5550] =	vst v0  }
0x27: {  	[tilespmem:$0x5560] =	vst v0  }
0x28: {  	[tilespmem:$0x5570] =	vst v0  }
0x29: {  	[tilespmem:$0x5580] =	vst v0  }
0x2a: {  	[tilespmem:$0x5590] =	vst v0  }
0x2b: {  	[tilespmem:$0x55A0] =	vst v0  }
0x2c: {  	[tilespmem:$0x55B0] =	vst v0  }
0x2d: {  	[tilespmem:$0x55C0] =	vst v0  }
0x2e: {  	[tilespmem:$0x55D0] =	vst v0  }
0x2f: {  	[tilespmem:$0x55E0] =	vst v0  }
0x30: {  	[tilespmem:$0x55F0] =	vst v0  }
0x31: {  	[tilespmem:$0x5600] =	vst v0  }
0x32: {  	[tilespmem:$0x5610] =	vst v0  }
0x33: {  	[tilespmem:$0x5620] =	vst v0  }
0x34: {  	[tilespmem:$0x5630] =	vst v0  }
0x35: {  	[tilespmem:$0x5640] =	vst v0  }
0x36: {  	[tilespmem:$0x5650] =	vst v0  }
0x37: {  	[tilespmem:$0x5660] =	vst v0  }
0x38: {  	[tilespmem:$0x5670] =	vst v0  }
0x39: {  	[tilespmem:$0x5680] =	vst v0  }
0x3a: {  	[tilespmem:$0x5690] =	vst v0  }
0x3b: {  	[tilespmem:$0x56A0] =	vst v0  }
0x3c: {  	[tilespmem:$0x56B0] =	vst v0  }
0x3d: {  	[tilespmem:$0x56C0] =	vst v0  }
0x3e: {  	[tilespmem:$0x56D0] =	vst v0  }
0x3f: {  	[tilespmem:$0x56E0] =	vst v0  }
0x40: {  	[tilespmem:$0x56F0] =	vst v0  }
0x41: {  	[tilespmem:$0x5700] =	vst v0  }
0x42: {  	[tilespmem:$0x5710] =	vst v0  }
0x43: {  	[tilespmem:$0x5720] =	vst v0  }
0x44: {  	[tilespmem:$0x5730] =	vst v0  }
0x45: {  	[tilespmem:$0x5740] =	vst v0  }
0x46: {  	[tilespmem:$0x5750] =	vst v0  }
0x47: {  	[tilespmem:$0x5760] =	vst v0  }
0x48: {  	[tilespmem:$0x5770] =	vst v0  }
0x49: {  	v1 =	vld [tilespmem:$0x5780];
	[spmem:s7] =	stream.linear.scatter [tilespmem:s13], [sflag:$0x1], $0x280, $0x38  }
.Ltmp2:
0x4a: {  	_ =	swait.ge [sflag:s11], $0x280;
	(pc) =	sbr.rel .LBB2_2-.Ltmp2, $4  }
0x4b: {  	[sflag:s11] =	ssyncset.done $0x0  }
0x4c: {  	[sflag:s11] =	ssyncadd.s32 $0xFFFFFD80  }
0x4d: {  	[bflag:$0x0] =	sbarrier.arrive $0xFFFF  }
0x4e: {  	s24 =	simm.s32 $0x0  }
.LBB2_4:
0x4f: {  	s24 =	sadd.s32 $0x200, s24  }
0x50: {  	p1 =	sne.s32 s24, $0x2A00  }
.Ltmp3:
0x51: {  	_ = 	snop;
	(pc) =	sbr.rel @!p1 .LBB2_5-.Ltmp3, $1  }
0x52: {  	_ =	sdelay $0x3  }
.LBB2_2:
0x53: {  	s26 =	smin.u32 s24, $0x2700  }
0x54: {  	s25 =	sshll.u32 s26, $0x1  }
0x55: {  	v2 =	vld [tilespmem:s25+$0x10]  }
0x56: {  	v3 =	vld [tilespmem:s25+$0x20]  }
0x57: {  	v4 =	vld [tilespmem:s25+$0x30]  }
0x58: {  	v5 =	vld [tilespmem:s25+$0x40]  }
0x59: {  	v6 =	vld [tilespmem:s25+$0x50]  }
0x5a: {  	v7 =	vld [tilespmem:s25+$0x60]  }
0x5b: {  	vm0 =	veq.s32 v2, v1;
	vm1 =	veq.s32 v3, v1;
	v2 =	vld [tilespmem:s25+$0x70]  }
0x5c: {  	v3 =	vld [tilespmem:s25+$0x100];
	vm0 =	vmor vm0, vm1;
	vm1 =	veq.s32 v4, v1  }
0x5d: {  	v49 =	vld [tilespmem:s25+$0x110];
	vm0 =	vmor vm0, vm1;
	vm1 =	veq.s32 v5, v1  }
0x5e: {  	v50 =	vld [tilespmem:s25+$0x120];
	vm0 =	vmor vm0, vm1;
	vm1 =	veq.s32 v6, v1  }
0x5f: {  	v51 =	vld [tilespmem:s25+$0x130];
	vm0 =	vmor vm0, vm1;
	vm1 =	veq.s32 v7, v1  }
0x60: {  	vm0 =	vmor vm0, vm1;
	vm1 =	veq.s32 v2, v1;
	v2 =	vld [tilespmem:s25+$0x140]  }
0x61: {  	vm0 =	vmor vm0, vm1;
	vm1 =	veq.s32 v3, v1;
	v3 =	vld [tilespmem:s25+$0x150]  }
0x62: {  	v52 =	vld [tilespmem:s25+$0x160];
	vm0 =	vmor vm0, vm1;
	vm1 =	veq.s32 v49, v1  }
0x63: {  	v53 =	vld [tilespmem:s25+$0x170];
	vm0 =	vmor vm0, vm1;
	vm1 =	veq.s32 v50, v1  }
0x64: {  	v54 =	vld [tilespmem:s25+$0x200];
	vm0 =	vmor vm0, vm1;
	vm1 =	veq.s32 v51, v1  }
0x65: {  	vm0 =	vmor vm0, vm1;
	vm1 =	veq.s32 v2, v1;
	v2 =	vld [tilespmem:s25+$0x210]  }
0x66: {  	vm0 =	vmor vm0, vm1;
	vm1 =	veq.s32 v3, v1;
	v3 =	vld [tilespmem:s25+$0x220]  }
0x67: {  	v55 =	vld [tilespmem:s25+$0x230];
	vm0 =	vmor vm0, vm1;
	vm1 =	veq.s32 v52, v1  }
0x68: {  	v56 =	vld [tilespmem:s25+$0x240];
	vm0 =	vmor vm0, vm1;
	vm1 =	veq.s32 v53, v1  }
0x69: {  	v57 =	vld [tilespmem:s25+$0x250];
	vm0 =	vmor vm0, vm1;
	vm1 =	veq.s32 v54, v1  }
0x6a: {  	vm0 =	vmor vm0, vm1;
	vm1 =	veq.s32 v2, v1;
	v2 =	vld [tilespmem:s25+$0x260]  }
0x6b: {  	vm0 =	vmor vm0, vm1;
	vm1 =	veq.s32 v3, v1;
	v3 =	vld [tilespmem:s25+$0x270]  }
0x6c: {  	v58 =	vld [tilespmem:s25+$0x300];
	vm0 =	vmor vm0, vm1;
	vm1 =	veq.s32 v55, v1  }
0x6d: {  	v59 =	vld [tilespmem:s25+$0x310];
	vm0 =	vmor vm0, vm1;
	vm1 =	veq.s32 v56, v1  }
0x6e: {  	v60 =	vld [tilespmem:s25+$0x320];
	vm0 =	vmor vm0, vm1;
	vm1 =	veq.s32 v57, v1  }
0x6f: {  	vm0 =	vmor vm0, vm1;
	vm1 =	veq.s32 v2, v1;
	v2 =	vld [tilespmem:s25+$0x330]  }
0x70: {  	vm0 =	vmor vm0, vm1;
	vm1 =	veq.s32 v3, v1;
	v3 =	vld [tilespmem:s25+$0x340]  }
0x71: {  	v61 =	vld [tilespmem:s25+$0x350];
	vm0 =	vmor vm0, vm1;
	vm1 =	veq.s32 v58, v1  }
0x72: {  	v62 =	vld [tilespmem:s25+$0x360];
	vm0 =	vmor vm0, vm1;
	vm1 =	veq.s32 v59, v1  }
0x73: {  	v63 =	vld [tilespmem:s25+$0x370];
	vm0 =	vmor vm0, vm1;
	vm1 =	veq.s32 v60, v1  }
0x74: {  	vm0 =	vmor vm0, vm1;
	vm1 =	veq.s32 v2, v1;
	v2 =	vld [tilespmem:s25+$0x0]  }
0x75: {  	vm2 =	veq.s32 v3, v1;
	vm0 =	vmor vm0, vm1  }
0x76: {  	vm1 =	veq.s32 v61, v1;
	vm0 =	vmor vm0, vm2  }
0x77: {  	vm2 =	veq.s32 v62, v1;
	vm0 =	vmor vm0, vm1  }
0x78: {  	vm1 =	veq.s32 v63, v1;
	vm2 =	vmor vm0, vm2  }
0x79: {  	vm0 =	veq.s32 v2, v1;
	vm1 =	vmor vm2, vm1  }
0x7a: {  	vm1 =	vmor vm0, vm1  }
0x7b: {  	v2 =	vmpcnt.ones.xlane vm1;
	_ =	sdelay $0x1  }
0x7c: {  	(v2sf) =	vpush v2, $0x0;
	_ =	sdelay $0xe  }
0x7d: {  	s28 =	spop (v2sf)  }
0x7e: {  	p1 =	slt.s32 s28, $0x1  }
.Ltmp4:
0x7f: {  	_ = 	snop;
	(pc) =	sbr.rel @p1 .LBB2_4-.Ltmp4, $1  }
0x80: {  	_ =	sdelay $0x3  }
0x81: {  	v2 =	vsel vm0, $0x3F800000, v0  }
0x82: {  	[tilespmem:$0x5200] =	vst v2  }
0x83: {  	v2 =	vld [tilespmem:s25+$0x10];
	_ =	sdelay $0x4  }
0x84: {  	vm9 =	veq.s32 v2, v1  }
0x85: {  	v2 =	vsel vm9, $0x3F800000, v0  }
0x86: {  	[tilespmem:$0x5210] =	vst v2  }
0x87: {  	v2 =	vld [tilespmem:s25+$0x20];
	_ =	sdelay $0x4  }
0x88: {  	vm10 =	veq.s32 v2, v1  }
0x89: {  	v2 =	vsel vm10, $0x3F800000, v0  }
0x8a: {  	[tilespmem:$0x5220] =	vst v2  }
0x8b: {  	v2 =	vld [tilespmem:s25+$0x30];
	_ =	sdelay $0x4  }
0x8c: {  	vm11 =	veq.s32 v2, v1  }
0x8d: {  	v2 =	vsel vm11, $0x3F800000, v0  }
0x8e: {  	[tilespmem:$0x5230] =	vst v2  }
0x8f: {  	v2 =	vld [tilespmem:s25+$0x40];
	_ =	sdelay $0x4  }
0x90: {  	vm12 =	veq.s32 v2, v1  }
0x91: {  	v2 =	vsel vm12, $0x3F800000, v0  }
0x92: {  	[tilespmem:$0x5240] =	vst v2  }
0x93: {  	v2 =	vld [tilespmem:s25+$0x50];
	_ =	sdelay $0x4  }
0x94: {  	vm13 =	veq.s32 v2, v1  }
0x95: {  	v2 =	vsel vm13, $0x3F800000, v0  }
0x96: {  	[tilespmem:$0x5250] =	vst v2  }
0x97: {  	v2 =	vld [tilespmem:s25+$0x60];
	_ =	sdelay $0x4  }
0x98: {  	vm14 =	veq.s32 v2, v1  }
0x99: {  	v2 =	vsel vm14, $0x3F800000, v0  }
0x9a: {  	[tilespmem:$0x5260] =	vst v2  }
0x9b: {  	v2 =	vld [tilespmem:s25+$0x70];
	_ =	sdelay $0x4  }
0x9c: {  	s26 =	sadd.s32 s5, s26;
	vm15 =	veq.s32 v2, v1  }
0x9d: {  	s28 =	sshrl.u32 s26, $0x2;
	v2 =	vsel vm15, $0x3F800000, v0  }
0x9e: {  	s26 =	sadd.s32 s1, s28;
	[tilespmem:$0x5270] =	vst v2  }
0x9f: {  	[tilespmem:s14], [sflag:$0x2] =	stream.linear.gather [hbm4b:s26+s3], $0x100, $0x38;
	[tilespmem:$0x5A80] =	vst v63  }
0xa0: {  	_ =	swait.ge [sflag:s15], $0x100  }
0xa1: {  	[sflag:s15] =	ssyncset.done $0x0  }
0xa2: {  	[sflag:s15] =	ssyncadd.s32 $0xFFFFFF00  }
0xa3: {  	[spmem:s2] =	stream.indirect.scatter.add.f32 [tilespmem:s18], [sflag:$0x2], $0x1, s17, s16, $0xb8;
	[tilespmem:$0x5A80] =	vst v63  }
0xa4: {  	_ =	swait.ge [sflag:s15], $0x80  }
0xa5: {  	[sflag:s15] =	ssyncset.done $0x0  }
0xa6: {  	[sflag:s15] =	ssyncadd.s32 $0xFFFFFF80  }
0xa7: {  	v2 =	vld [tilespmem:s25+$0x100];
	_ =	sdelay $0x4  }
0xa8: {  	vm4 =	veq.s32 v2, v1  }
0xa9: {  	v2 =	vsel vm4, $0x3F800000, v0  }
0xaa: {  	[tilespmem:$0x5280] =	vst v2  }
0xab: {  	v2 =	vld [tilespmem:s25+$0x110];
	_ =	sdelay $0x4  }
0xac: {  	vm5 =	veq.s32 v2, v1  }
0xad: {  	v2 =	vsel vm5, $0x3F800000, v0  }
0xae: {  	[tilespmem:$0x5290] =	vst v2  }
0xaf: {  	v2 =	vld [tilespmem:s25+$0x120];
	_ =	sdelay $0x4  }
0xb0: {  	vm6 =	veq.s32 v2, v1  }
0xb1: {  	v2 =	vsel vm6, $0x3F800000, v0  }
0xb2: {  	[tilespmem:$0x52A0] =	vst v2  }
0xb3: {  	v2 =	vld [tilespmem:s25+$0x130];
	_ =	sdelay $0x4  }
0xb4: {  	vm7 =	veq.s32 v2, v1  }
0xb5: {  	v2 =	vsel vm7, $0x3F800000, v0  }
0xb6: {  	[tilespmem:$0x52B0] =	vst v2  }
0xb7: {  	v2 =	vld [tilespmem:s25+$0x140];
	_ =	sdelay $0x4  }
0xb8: {  	vm8 =	veq.s32 v2, v1  }
0xb9: {  	v2 =	vsel vm8, $0x3F800000, v0  }
0xba: {  	[tilespmem:$0x52C0] =	vst v2  }
0xbb: {  	v2 =	vld [tilespmem:s25+$0x150];
	_ =	sdelay $0x4  }
0xbc: {  	vm9 =	veq.s32 v2, v1  }
0xbd: {  	v2 =	vsel vm9, $0x3F800000, v0  }
0xbe: {  	[tilespmem:$0x52D0] =	vst v2  }
0xbf: {  	v2 =	vld [tilespmem:s25+$0x160];
	_ =	sdelay $0x4  }
0xc0: {  	vm10 =	veq.s32 v2, v1  }
0xc1: {  	v2 =	vsel vm10, $0x3F800000, v0  }
0xc2: {  	[tilespmem:$0x52E0] =	vst v2  }
0xc3: {  	v2 =	vld [tilespmem:s25+$0x170];
	_ =	sdelay $0x4  }
0xc4: {  	vm11 =	veq.s32 v2, v1  }
0xc5: {  	v2 =	vsel vm11, $0x3F800000, v0  }
0xc6: {  	s28 =	sadd.s32 s28, s8;
	[tilespmem:$0x52F0] =	vst v2  }
0xc7: {  	[tilespmem:s14], [sflag:$0x2] =	stream.linear.gather [hbm4b:s28+s3], $0x100, $0x38;
	[tilespmem:$0x5A80] =	vst v63  }
0xc8: {  	_ =	swait.ge [sflag:s15], $0x100  }
0xc9: {  	[sflag:s15] =	ssyncset.done $0x0  }
0xca: {  	[sflag:s15] =	ssyncadd.s32 $0xFFFFFF00  }
0xcb: {  	[spmem:s2] =	stream.indirect.scatter.add.f32 [tilespmem:s19], [sflag:$0x2], $0x1, s17, s16, $0xb8;
	[tilespmem:$0x5A80] =	vst v63  }
0xcc: {  	_ =	swait.ge [sflag:s15], $0x80  }
0xcd: {  	[sflag:s15] =	ssyncset.done $0x0  }
0xce: {  	[sflag:s15] =	ssyncadd.s32 $0xFFFFFF80  }
0xcf: {  	v2 =	vld [tilespmem:s25+$0x200];
	_ =	sdelay $0x4  }
0xd0: {  	vm12 =	veq.s32 v2, v1  }
0xd1: {  	v2 =	vsel vm12, $0x3F800000, v0  }
0xd2: {  	[tilespmem:$0x5300] =	vst v2  }
0xd3: {  	v2 =	vld [tilespmem:s25+$0x210];
	_ =	sdelay $0x4  }
0xd4: {  	vm13 =	veq.s32 v2, v1  }
0xd5: {  	v2 =	vsel vm13, $0x3F800000, v0  }
0xd6: {  	[tilespmem:$0x5310] =	vst v2  }
0xd7: {  	v2 =	vld [tilespmem:s25+$0x220];
	_ =	sdelay $0x4  }
0xd8: {  	vm14 =	veq.s32 v2, v1  }
0xd9: {  	v2 =	vsel vm14, $0x3F800000, v0  }
0xda: {  	[tilespmem:$0x5320] =	vst v2  }
0xdb: {  	v2 =	vld [tilespmem:s25+$0x230];
	_ =	sdelay $0x4  }
0xdc: {  	vm15 =	veq.s32 v2, v1  }
0xdd: {  	v2 =	vsel vm15, $0x3F800000, v0  }
0xde: {  	[tilespmem:$0x5330] =	vst v2  }
0xdf: {  	v2 =	vld [tilespmem:s25+$0x240];
	_ =	sdelay $0x4  }
0xe0: {  	vm4 =	veq.s32 v2, v1  }
0xe1: {  	v2 =	vsel vm4, $0x3F800000, v0  }
0xe2: {  	[tilespmem:$0x5340] =	vst v2  }
0xe3: {  	v2 =	vld [tilespmem:s25+$0x250];
	_ =	sdelay $0x4  }
0xe4: {  	vm5 =	veq.s32 v2, v1  }
0xe5: {  	v2 =	vsel vm5, $0x3F800000, v0  }
0xe6: {  	[tilespmem:$0x5350] =	vst v2  }
0xe7: {  	v2 =	vld [tilespmem:s25+$0x260];
	_ =	sdelay $0x4  }
0xe8: {  	vm6 =	veq.s32 v2, v1  }
0xe9: {  	v2 =	vsel vm6, $0x3F800000, v0  }
0xea: {  	[tilespmem:$0x5360] =	vst v2  }
0xeb: {  	v2 =	vld [tilespmem:s25+$0x270];
	_ =	sdelay $0x4  }
0xec: {  	vm7 =	veq.s32 v2, v1  }
0xed: {  	v2 =	vsel vm7, $0x3F800000, v0  }
0xee: {  	s30 =	sadd.s32 $0x40, s26;
	[tilespmem:$0x5370] =	vst v2  }
0xef: {  	[tilespmem:s14], [sflag:$0x2] =	stream.linear.gather [hbm4b:s30+s3], $0x100, $0x38;
	[tilespmem:$0x5A80] =	vst v63  }
0xf0: {  	_ =	swait.ge [sflag:s15], $0x100  }
0xf1: {  	[sflag:s15] =	ssyncset.done $0x0  }
0xf2: {  	[sflag:s15] =	ssyncadd.s32 $0xFFFFFF00  }
0xf3: {  	[spmem:s2] =	stream.indirect.scatter.add.f32 [tilespmem:s20], [sflag:$0x2], $0x1, s17, s16, $0xb8;
	[tilespmem:$0x5A80] =	vst v63  }
0xf4: {  	_ =	swait.ge [sflag:s15], $0x80  }
0xf5: {  	[sflag:s15] =	ssyncset.done $0x0  }
0xf6: {  	[sflag:s15] =	ssyncadd.s32 $0xFFFFFF80  }
0xf7: {  	v2 =	vld [tilespmem:s25+$0x300];
	_ =	sdelay $0x4  }
0xf8: {  	vm8 =	veq.s32 v2, v1  }
0xf9: {  	v2 =	vsel vm8, $0x3F800000, v0  }
0xfa: {  	[tilespmem:$0x5380] =	vst v2  }
0xfb: {  	v2 =	vld [tilespmem:s25+$0x310];
	_ =	sdelay $0x4  }
0xfc: {  	vm9 =	veq.s32 v2, v1  }
0xfd: {  	v2 =	vsel vm9, $0x3F800000, v0  }
0xfe: {  	[tilespmem:$0x5390] =	vst v2  }
0xff: {  	v2 =	vld [tilespmem:s25+$0x320];
	_ =	sdelay $0x4  }
0x100: {  	vm10 =	veq.s32 v2, v1  }
0x101: {  	v2 =	vsel vm10, $0x3F800000, v0  }
0x102: {  	[tilespmem:$0x53A0] =	vst v2  }
0x103: {  	v2 =	vld [tilespmem:s25+$0x330];
	_ =	sdelay $0x4  }
0x104: {  	vm11 =	veq.s32 v2, v1  }
0x105: {  	v2 =	vsel vm11, $0x3F800000, v0  }
0x106: {  	[tilespmem:$0x53B0] =	vst v2  }
0x107: {  	v2 =	vld [tilespmem:s25+$0x340];
	_ =	sdelay $0x4  }
0x108: {  	vm12 =	veq.s32 v2, v1  }
0x109: {  	v2 =	vsel vm12, $0x3F800000, v0  }
0x10a: {  	[tilespmem:$0x53C0] =	vst v2  }
0x10b: {  	v2 =	vld [tilespmem:s25+$0x350];
	_ =	sdelay $0x4  }
0x10c: {  	vm13 =	veq.s32 v2, v1  }
0x10d: {  	v2 =	vsel vm13, $0x3F800000, v0  }
0x10e: {  	[tilespmem:$0x53D0] =	vst v2  }
0x10f: {  	v2 =	vld [tilespmem:s25+$0x360];
	_ =	sdelay $0x4  }
0x110: {  	vm14 =	veq.s32 v2, v1  }
0x111: {  	v2 =	vsel vm14, $0x3F800000, v0  }
0x112: {  	[tilespmem:$0x53E0] =	vst v2  }
0x113: {  	v2 =	vld [tilespmem:s25+$0x370];
	_ =	sdelay $0x4  }
0x114: {  	vm15 =	veq.s32 v2, v1  }
0x115: {  	v2 =	vsel vm15, $0x3F800000, v0  }
0x116: {  	s31 =	sadd.s32 $0x60, s26;
	[tilespmem:$0x53F0] =	vst v2  }
0x117: {  	[tilespmem:s14], [sflag:$0x2] =	stream.linear.gather [hbm4b:s31+s3], $0x100, $0x38;
	[tilespmem:$0x5A80] =	vst v63  }
0x118: {  	_ =	swait.ge [sflag:s15], $0x100  }
0x119: {  	[sflag:s15] =	ssyncset.done $0x0  }
.Ltmp5:
0x11a: {  	[sflag:s15] =	ssyncadd.s32 $0xFFFFFF00;
	(pc) =	sbr.rel .LBB2_4-.Ltmp5, $4  }
0x11b: {  	[spmem:s2] =	stream.indirect.scatter.add.f32 [tilespmem:s21], [sflag:$0x1], $0x1, s17, s16, $0xb8;
	[tilespmem:$0x5A80] =	vst v63  }
0x11c: {  	_ =	swait.ge [sflag:s11], $0x80  }
0x11d: {  	[sflag:s11] =	ssyncset.done $0x0  }
0x11e: {  	[sflag:s11] =	ssyncadd.s32 $0xFFFFFF80  }
.LBB2_6:
0x11f: {  	_ =	sfence.sel $0x180000  }
0x120: {  	[bflag:$0x0] =	sbarrier.arrive $0xFFFF  }
0x121: {  	_ =	strace $0x90000047  }
0x122: {  	s0 =	sadd.s32 @!p0 $0x100000, s0;
	[bflag:$0x2] =	sbarrier.arrive $0xFFFF  }
0x123: {  	[sflag:s0] =	ssyncadd.tile.s32 @!p0 $0x1;
	_ =	shalt  }
.Lfunc_end2:
_tile_overlayer_lowered:
.L_overlay_start_2:
0x124: {  	(tag) =	ssettag $0x2  }
0x125: {  	s0 =	rddreg [dreg:$0x0];
	s2 =	stileid.u32  }
0x126: {  	s1 =	rddreg [dreg:$0x1];
	p0 =	sne.s32 s2, $0x0  }
0x127: {  	s3 =	rddreg [dreg:$0x2];
	[bflag:$0x3] =	sbarrier.arrive $0xFFFF;
	s2 =	simm.s32 @!p0 $0x1C01  }
0x128: {  	[timem:s3], [sflag:s2] =	dma.local @!p0 [hbm:s0], s1  }
0x129: {  	s0 =	simm.s32 @!p0 $0x1  }
0x12a: {  	_ =	swait.ge @!p0 [sflag:s0], s1  }
0x12b: {  	s1 =	ssub.s32 @!p0 $0x0, s1;
	[sflag:s0] =	ssyncset.done @!p0 $0x0  }
0x12c: {  	[sflag:s0] =	ssyncadd.s32 @!p0 s1  }
0x12d: {  	[bflag:$0x3] =	sbarrier.arrive $0xFFFF  }
0x12e: {  	_ =	shalt  }

</sc_bundles>
